<compile_context>
chip_gen: v7x
topology: tpu7x:2x2x1
jax: 0.10.2.dev20260603
libtpu: 0.0.44.dev20260713+nightly
codegen_flags: <defaults>
</compile_context>

<pallas_src>
import numpy as np
import jax
import jax.numpy as jnp
from jax import lax
from jax.experimental import pallas as pl
from jax.experimental.pallas import tpu as pltpu
from jax.experimental.pallas import tpu_sc as plsc

N = 256
HID = 256
NF = HID // 2
INV_SIG_D = 5.0
INV_SIG_A = 1.0 / 15.0
RAD2DEG = float(180.0 / np.pi)
FREQ_SCALE = float(-2.0 * np.log(10000.0) / HID)
BLK = 2048


def _freq_row():
    t = jax.lax.broadcasted_iota(jnp.int32, (1, NF), 1).astype(jnp.float32)
    return jnp.exp(t * FREQ_SCALE)


_TWO_OVER_PI = 0.6366197723675814
_PI2_HI = 1.5707855224609375
_PI2_MD = 1.0780334472656250e-05
_PI2_LO = 2.3999487e-08


def _fast_sincos(om):
    mf = jnp.floor(om * _TWO_OVER_PI + 0.5)
    q = mf.astype(jnp.int32)
    r = om - mf * _PI2_HI
    r = r - mf * _PI2_MD
    r = r - mf * _PI2_LO
    r2 = r * r
    sp = r * (1.0 + r2 * (-1.6666654611e-1 + r2 * (8.3321608736e-3
                          + r2 * (-1.9515295891e-4))))
    cp = 1.0 + r2 * (-0.5 + r2 * (4.166664568298827e-2
                     + r2 * (-1.388731625493765e-3
                             + r2 * 2.443315711809948e-5)))
    odd = (q & 1) == 1
    ge2 = (q & 2) == 2
    s_base = jnp.where(odd, cp, sp)
    c_base = jnp.where(odd, sp, cp)
    s = jnp.where(ge2, -s_base, s_base)
    c = jnp.where(odd != ge2, -c_base, c_base)
    return s, c


def _sin_cos_concat(x_col):
    om = x_col * _freq_row()
    s, c = _fast_sincos(om)
    return jnp.concatenate([s, c], axis=1)


def _knn_sc_body(x_hbm, y_hbm, z_hbm, out_hbm, xs, ys, zs, ob):
    wid = lax.axis_index("s") * 2 + lax.axis_index("c")

    def bf16r(x):
        bits = lax.bitcast_convert_type(x, jnp.int32)
        r = bits + 0x7FFF + (lax.shift_right_logical(bits, 16) & 1)
        return lax.bitcast_convert_type(r & jnp.int32(-65536), jnp.float32)

    @pl.when(wid < 16)
    def _():
        pltpu.sync_copy(x_hbm, xs)
        pltpu.sync_copy(y_hbm, ys)
        pltpu.sync_copy(z_hbm, zs)
        base = wid * 16
        lanes = lax.iota(jnp.int32, 16)
        def getrow(arr, r):
            off = pl.multiple_of(r * 16, 16)
            return arr[pl.ds(off, 16)]

        myx = jnp.zeros((16,), jnp.float32)
        myy = jnp.zeros((16,), jnp.float32)
        myz = jnp.zeros((16,), jnp.float32)
        for l in range(16):
            m = lanes == l
            myx = jnp.where(m, getrow(xs, base + l), myx)
            myy = jnp.where(m, getrow(ys, base + l), myy)
            myz = jnp.where(m, getrow(zs, base + l), myz)
        mbx = bf16r(myx)
        mby = bf16r(myy)
        mbz = bf16r(myz)
        sqi = myx * myx + myy * myy + myz * myz
        big = jnp.full((16,), 3.0e38, jnp.float32)
        zero = jnp.zeros((16,), jnp.int32)

        def body(j, carry):
            b0, b1, b2, b3, i0, i1, i2, i3 = carry
            jv = jnp.full((16,), 1, jnp.int32) * j
            xj = getrow(xs, j)
            yj = getrow(ys, j)
            zj = getrow(zs, j)
            bxj = bf16r(xj)
            byj = bf16r(yj)
            bzj = bf16r(zj)
            ab = mbx * bxj + mby * byj + mbz * bzj
            sqj = xj * xj + yj * yj + zj * zj
            d2 = jnp.maximum((sqi + sqj) - 2.0 * ab, 0.0)
            c0 = d2 < b0
            c1 = d2 < b1
            c2 = d2 < b2
            c3 = d2 < b3
            nb3 = jnp.where(c3, jnp.where(c2, b2, d2), b3)
            ni3 = jnp.where(c3, jnp.where(c2, i2, jv), i3)
            nb2 = jnp.where(c2, jnp.where(c1, b1, d2), b2)
            ni2 = jnp.where(c2, jnp.where(c1, i1, jv), i2)
            nb1 = jnp.where(c1, jnp.where(c0, b0, d2), b1)
            ni1 = jnp.where(c1, jnp.where(c0, i0, jv), i1)
            nb0 = jnp.where(c0, d2, b0)
            ni0 = jnp.where(c0, jv, i0)
            return nb0, nb1, nb2, nb3, ni0, ni1, ni2, ni3

        _, _, _, _, _, i1, i2, i3 = lax.fori_loop(
            0, N, body, (big, big, big, big, zero, zero, zero, zero))
        ob[pl.ds(0, 16)] = i1
        ob[pl.ds(16, 16)] = i2
        ob[pl.ds(32, 16)] = i3
        pltpu.sync_copy(ob.at[pl.ds(0, 16)], out_hbm.at[pl.ds(base, 16)])
        pltpu.sync_copy(ob.at[pl.ds(16, 16)], out_hbm.at[pl.ds(N + base, 16)])
        pltpu.sync_copy(ob.at[pl.ds(32, 16)],
                        out_hbm.at[pl.ds(2 * N + base, 16)])


_knn_sc_cache = []


def _get_knn_sc():
    if not _knn_sc_cache:
        _knn_sc_cache.append(pl.kernel(
            _knn_sc_body,
            mesh=plsc.VectorSubcoreMesh(core_axis_name="c",
                                        subcore_axis_name="s"),
            out_type=jax.ShapeDtypeStruct((3 * N,), jnp.int32),
            scratch_types=[
                pltpu.VMEM((N * 16,), jnp.float32),
                pltpu.VMEM((N * 16,), jnp.float32),
                pltpu.VMEM((N * 16,), jnp.float32),
                pltpu.VMEM((48,), jnp.int32),
            ],
        ))
    return _knn_sc_cache[0]


def _geom_kernel(pts_ref, ptsT_ref, knn_ref, WaT_ref, ba_ref,
                 d_ref, a0_ref, a1_ref, a2_ref, T_ref):
    px = pts_ref[:, 0:1]
    py = pts_ref[:, 1:2]
    pz = pts_ref[:, 2:3]
    rx = ptsT_ref[0:1, :]
    ry = ptsT_ref[1:2, :]
    rz = ptsT_ref[2:3, :]
    ax = rx - px
    ay = ry - py
    az = rz - pz
    bxc = px.astype(jnp.bfloat16).astype(jnp.float32)
    byc = py.astype(jnp.bfloat16).astype(jnp.float32)
    bzc = pz.astype(jnp.bfloat16).astype(jnp.float32)
    bxr = rx.astype(jnp.bfloat16).astype(jnp.float32)
    byr = ry.astype(jnp.bfloat16).astype(jnp.float32)
    bzr = rz.astype(jnp.bfloat16).astype(jnp.float32)
    ab = bxc * bxr + byc * byr + bzc * bzr
    sqc = px * px + py * py + pz * pz
    sqr = rx * rx + ry * ry + rz * rz
    d2 = jnp.maximum((sqc + sqr) - 2.0 * ab, 0.0)
    dist = jnp.sqrt(d2)
    d_ref[...] = dist / jnp.float32(0.2)

    jio = jax.lax.broadcasted_iota(jnp.int32, (N, N), 1)
    iio = jax.lax.broadcasted_iota(jnp.int32, (N, N), 0)
    diag = jio == iio
    outs = (a0_ref, a1_ref, a2_ref)
    for k in range(3):
        idxc = knn_ref[:, k:k + 1]
        oh = jio == idxc
        kx = jnp.sum(jnp.where(oh, rx, 0.0), axis=1, keepdims=True)
        ky = jnp.sum(jnp.where(oh, ry, 0.0), axis=1, keepdims=True)
        kz = jnp.sum(jnp.where(oh, rz, 0.0), axis=1, keepdims=True)
        vx = kx - px
        vy = ky - py
        vz = kz - pz
        cx = vy * az - vz * ay
        cy = vz * ax - vx * az
        cz = vx * ay - vy * ax
        s = jnp.sqrt(cx * cx + cy * cy + cz * cz)
        c = vx * ax + vy * ay + vz * az
        ang = jnp.arctan2(s, c)
        bins = jnp.round(ang * RAD2DEG).astype(jnp.int32)
        allneg = jnp.logical_and(jnp.logical_and(vx < 0, vy < 0), vz < 0)
        dbin = jnp.where(allneg, 180, 0)
        outs[k][...] = jnp.where(diag, dbin, bins)

    r_i = jax.lax.broadcasted_iota(jnp.int32, (N, 1), 0)
    emb = _sin_cos_concat(r_i.astype(jnp.float32) * INV_SIG_A)
    T = jnp.dot(emb, WaT_ref[...], preferred_element_type=jnp.float32)
    T = T + ba_ref[...]
    T_ref[...] = jnp.where(r_i <= 180, T, 0.0)


def _dense_kernel(d_ref, a0_ref, a1_ref, a2_ref, T_ref,
                  WdT_ref, bd_ref, WeT_ref, be_ref, g_ref, b_ref, o_ref):
    demb = jnp.dot(_sin_cos_concat(d_ref[...]), WdT_ref[...],
                   preferred_element_type=jnp.float32) + bd_ref[...]
    rio = jax.lax.broadcasted_iota(jnp.int32, (BLK, HID), 1)
    T = T_ref[...]

    def gat(aref):
        oh = (rio == aref[...]).astype(jnp.float32)
        return jnp.dot(oh, T, preferred_element_type=jnp.float32)

    a_emb = jnp.maximum(jnp.maximum(gat(a0_ref), gat(a1_ref)), gat(a2_ref))
    e = demb + a_emb
    e = jnp.maximum(e, 0.2 * e)
    o = jnp.dot(e, WeT_ref[...],
                preferred_element_type=jnp.float32) + be_ref[...]
    mu = jnp.mean(o, axis=-1, keepdims=True)
    var = jnp.mean((o - mu) * (o - mu), axis=-1, keepdims=True)
    o_ref[...] = (o - mu) * jax.lax.rsqrt(var + 1e-5) * g_ref[...] + b_ref[...]


def _deinterleave(W):
    Wt = W.T.reshape(NF, 2, HID)
    return jnp.concatenate([Wt[:, 0, :], Wt[:, 1, :]], axis=0)


def kernel(points, W_d, b_d, W_a, b_a, W_e, b_e, ln_g, ln_b):
    B = points.shape[0]
    pts = points[0]
    ptsT = pts.T
    WaT = _deinterleave(W_a)
    WdT = _deinterleave(W_d)
    WeT = W_e.T

    rep = jnp.broadcast_to(pts.T[:, :, None], (3, N, 16)).reshape(3, N * 16)
    knn = _get_knn_sc()(rep[0], rep[1], rep[2]).reshape(3, N).T

    geom = pl.pallas_call(
        _geom_kernel,
        out_shape=(
            jax.ShapeDtypeStruct((N, N), jnp.float32),
            jax.ShapeDtypeStruct((N, N), jnp.int32),
            jax.ShapeDtypeStruct((N, N), jnp.int32),
            jax.ShapeDtypeStruct((N, N), jnp.int32),
            jax.ShapeDtypeStruct((N, HID), jnp.float32),
        ),
    )
    d_idx, a0, a1, a2, T = geom(pts, ptsT, knn, WaT, b_a.reshape(1, HID))

    NN = N * N
    grid = NN // BLK
    col = pl.BlockSpec((BLK, 1), lambda i: (i, 0))
    full = pl.BlockSpec((HID, HID), lambda i: (0, 0))
    row = pl.BlockSpec((1, HID), lambda i: (0, 0))
    dense = pl.pallas_call(
        _dense_kernel,
        grid=(grid,),
        in_specs=[col, col, col, col, full, full, row, full, row, row, row],
        out_specs=pl.BlockSpec((BLK, HID), lambda i: (i, 0)),
        out_shape=jax.ShapeDtypeStruct((NN, HID), jnp.float32),
    )
    out = dense(
        d_idx.reshape(NN, 1), a0.reshape(NN, 1), a1.reshape(NN, 1),
        a2.reshape(NN, 1), T, WdT,
        b_d.reshape(1, HID), WeT,
        b_e.reshape(1, HID), ln_g.reshape(1, HID), ln_b.reshape(1, HID))
    return out.reshape(B, N, N, HID)

# --- scband reference (transcript-rebuilt; emitter-appended) ---
"""Pipeline reference for scband-geometric-structure-embedding-v2-2173253452346 (READ-ONLY COPY).

The authoritative reference and input builder live on the scoring server;
editing this copy changes nothing except your own understanding.
"""

import jax, jax.numpy as jnp
import numpy as np

HIDDEN = 256
SIGMA_D = 0.2
SIGMA_A = 15.0
ANGLE_K = 3


def sinusoidal_embedding(x, d_model):
    div_indices = jnp.arange(0, d_model, 2, dtype=jnp.float32)
    div_term = jnp.exp(div_indices * (-np.log(10000.0) / d_model))
    omegas = x[..., None] * div_term  # (..., d_model//2)
    emb = jnp.stack([jnp.sin(omegas), jnp.cos(omegas)], axis=-1)
    return emb.reshape(x.shape + (d_model,))


def layer_norm(x, gamma, beta, eps=1e-5):
    mu = jnp.mean(x, axis=-1, keepdims=True)
    var = jnp.var(x, axis=-1, keepdims=True)
    return (x - mu) / jnp.sqrt(var + eps) * gamma + beta


def setup_inputs(seed: int = 0) -> dict:
    key = jax.random.key(seed)
    ks = jax.random.split(key, 8)
    points = jax.random.normal(ks[0], (1, 256, 3), dtype=jnp.float32)
    W_d = jax.random.normal(ks[1], (HIDDEN, HIDDEN), dtype=jnp.float32) * 0.05
    b_d = jnp.zeros((HIDDEN,), dtype=jnp.float32)
    W_a = jax.random.normal(ks[2], (HIDDEN, HIDDEN), dtype=jnp.float32) * 0.05
    b_a = jnp.zeros((HIDDEN,), dtype=jnp.float32)
    W_e = jax.random.normal(ks[3], (HIDDEN, HIDDEN), dtype=jnp.float32) * 0.05
    b_e = jnp.zeros((HIDDEN,), dtype=jnp.float32)
    ln_g = jnp.ones((HIDDEN,), dtype=jnp.float32)
    ln_b = jnp.zeros((HIDDEN,), dtype=jnp.float32)
    return {"points": points, "W_d": W_d, "b_d": b_d, "W_a": W_a, "b_a": b_a,
            "W_e": W_e, "b_e": b_e, "ln_g": ln_g, "ln_b": ln_b}


def reference(points, W_d, b_d, W_a, b_a, W_e, b_e, ln_g, ln_b):
    B, N, _ = points.shape
    k = ANGLE_K
    # pairwise distances (squared=False)
    ab = jnp.einsum('bnd,bmd->bnm', points, points)
    sq = jnp.sum(points * points, axis=-1)
    dist2 = sq[:, :, None] + sq[:, None, :] - 2.0 * ab
    dist = jnp.sqrt(jnp.maximum(dist2, 0.0))
    # @torch.no_grad() region
    dist_ng = jax.lax.stop_gradient(dist)
    points_ng = jax.lax.stop_gradient(points)
    d_indices = dist_ng / SIGMA_D  # (B, N, N)
    _, knn_full = jax.lax.top_k(-dist_ng, k + 1)  # smallest k+1 distances
    knn_idx = knn_full[:, :, 1:]  # (B, N, k), drop self
    expanded_points = jnp.broadcast_to(points_ng[:, None, :, :], (B, N, N, 3))
    idx3 = jnp.broadcast_to(knn_idx[..., None], (B, N, k, 3))
    knn_points = jnp.take_along_axis(expanded_points, idx3, axis=2)  # (B, N, k, 3)
    ref_vectors = knn_points - points_ng[:, :, None, :]  # (B, N, k, 3)
    anc_vectors = points_ng[:, None, :, :] - points_ng[:, :, None, :]  # (B, N, N, 3)
    ref_e = jnp.broadcast_to(ref_vectors[:, :, None, :, :], (B, N, N, k, 3))
    anc_e = jnp.broadcast_to(anc_vectors[:, :, :, None, :], (B, N, N, k, 3))
    sin_values = jnp.linalg.norm(jnp.cross(ref_e, anc_e, axis=-1), axis=-1)
    cos_values = jnp.sum(ref_e * anc_e, axis=-1)
    angles = jnp.arctan2(sin_values, cos_values)
    a_indices = jnp.round(angles * (180.0 / np.pi)).astype(jnp.int32)  # (B, N, N, k) in [0, 180]
    # distance branch
    d_emb = sinusoidal_embedding(d_indices, HIDDEN)
    d_emb = d_emb @ W_d.T + b_d  # (B, N, N, H)
    # angular branch: embed all 181 bins then gather
    all_a_idx = jnp.arange(181, dtype=jnp.float32) / SIGMA_A
    all_a_emb = sinusoidal_embedding(all_a_idx, HIDDEN) @ W_a.T + b_a  # (181, H)
    a_emb = jnp.take(all_a_emb, a_indices, axis=0)  # (B, N, N, k, H)
    a_emb = jnp.max(a_emb, axis=3)  # (B, N, N, H)
    emb = d_emb + a_emb
    emb = jnp.where(emb > 0, emb, 0.2 * emb)  # LeakyReLU(0.2)
    emb = emb @ W_e.T + b_e
    emb = layer_norm(emb, ln_g, ln_b)
    return emb

if __name__ == "__main__":
    import jax
    _d = setup_inputs()
    print(jax.jit(kernel)(*tuple(_d.values())))

</pallas_src>

<mosaic_0001>
#map = affine_map<(d0, d1) -> (0)>
module attributes {stable_mosaic.version = 14 : i64} {
  func.func @_knn_sc_body(%arg0: i32, %arg1: i32, %arg2: memref<4096xf32, #tpu.memory_space<hbm>>, %arg3: memref<4096xf32, #tpu.memory_space<hbm>>, %arg4: memref<4096xf32, #tpu.memory_space<hbm>>, %arg5: memref<768xi32, #tpu.memory_space<hbm>>, %arg6: memref<4096xf32, #tpu.memory_space<vmem>>, %arg7: memref<4096xf32, #tpu.memory_space<vmem>>, %arg8: memref<4096xf32, #tpu.memory_space<vmem>>, %arg9: memref<48xi32, #tpu.memory_space<vmem>>) attributes {dimension_semantics = [#tpu.dimension_semantics<core_parallel>, #tpu.dimension_semantics<subcore_parallel>], iteration_bounds = array<i64: 2, 16>, scalar_prefetch = 0 : i64, scratch_operands = 4 : i64, tpu.core_type = #tpu.core_type<sc_vector_subcore>, window_params = [{transform_indices = #map}, {transform_indices = #map}, {transform_indices = #map}, {transform_indices = #map}]} {
    %mul3A = arith.constant 2 : i32
    %mul3A_0 = arith.muli %arg1, %mul3A : i32
    %add3A = arith.addi %mul3A_0, %arg0 : i32
    %lt3A = arith.constant 16 : i32
    %lt3A_1 = arith.cmpi slt, %add3A, %lt3A : i32
    %convert_element_type3A = arith.extui %lt3A_1 : i1 to i32
    %cond3A = arith.constant 0 : i32
    %cond3A_2 = arith.cmpi ne, %convert_element_type3A, %cond3A : i32
    scf.if %cond3A_2 {
      "tpu.region"() ({
        %run_scoped3A = tpu.sem_alloc : memref<!tpu.dma_semaphore, #tpu.memory_space<semaphore_mem>>
        tpu.enqueue_dma source(%arg2 : memref<4096xf32, #tpu.memory_space<hbm>>) target(%arg6 : memref<4096xf32, #tpu.memory_space<vmem>>) target_semaphore(%run_scoped3A : memref<!tpu.dma_semaphore, #tpu.memory_space<semaphore_mem>>)
        tpu.wait_dma2 semaphore(%run_scoped3A : memref<!tpu.dma_semaphore, #tpu.memory_space<semaphore_mem>>) src(%arg2 : memref<4096xf32, #tpu.memory_space<hbm>>) dst(%arg6 : memref<4096xf32, #tpu.memory_space<vmem>>)
        tpu.yield
      }) : () -> ()
      "tpu.region"() ({
        %run_scoped3A = tpu.sem_alloc : memref<!tpu.dma_semaphore, #tpu.memory_space<semaphore_mem>>
        tpu.enqueue_dma source(%arg3 : memref<4096xf32, #tpu.memory_space<hbm>>) target(%arg7 : memref<4096xf32, #tpu.memory_space<vmem>>) target_semaphore(%run_scoped3A : memref<!tpu.dma_semaphore, #tpu.memory_space<semaphore_mem>>)
        tpu.wait_dma2 semaphore(%run_scoped3A : memref<!tpu.dma_semaphore, #tpu.memory_space<semaphore_mem>>) src(%arg3 : memref<4096xf32, #tpu.memory_space<hbm>>) dst(%arg7 : memref<4096xf32, #tpu.memory_space<vmem>>)
        tpu.yield
      }) : () -> ()
      "tpu.region"() ({
        %run_scoped3A = tpu.sem_alloc : memref<!tpu.dma_semaphore, #tpu.memory_space<semaphore_mem>>
        tpu.enqueue_dma source(%arg4 : memref<4096xf32, #tpu.memory_space<hbm>>) target(%arg8 : memref<4096xf32, #tpu.memory_space<vmem>>) target_semaphore(%run_scoped3A : memref<!tpu.dma_semaphore, #tpu.memory_space<semaphore_mem>>)
        tpu.wait_dma2 semaphore(%run_scoped3A : memref<!tpu.dma_semaphore, #tpu.memory_space<semaphore_mem>>) src(%arg4 : memref<4096xf32, #tpu.memory_space<hbm>>) dst(%arg8 : memref<4096xf32, #tpu.memory_space<vmem>>)
        tpu.yield
      }) : () -> ()
      %mul3A_3 = arith.constant 16 : i32
      %mul3A_4 = arith.muli %add3A, %mul3A_3 : i32
      %iota3A = tpu.iota {dimensions = array<i32: 0>} : vector<16xi32>
      %broadcast_in_dim3A = arith.constant 0.000000e+00 : f32
      %broadcast_in_dim3A_5 = vector.broadcast %broadcast_in_dim3A : f32 to vector<16xf32>
      %broadcast_in_dim3A_6 = arith.constant 0.000000e+00 : f32
      %broadcast_in_dim3A_7 = vector.broadcast %broadcast_in_dim3A_6 : f32 to vector<16xf32>
      %broadcast_in_dim3A_8 = arith.constant 0.000000e+00 : f32
      %broadcast_in_dim3A_9 = vector.broadcast %broadcast_in_dim3A_8 : f32 to vector<16xf32>
      %eq3A = arith.constant 0 : i32
      %eq3A_10 = vector.broadcast %eq3A : i32 to vector<16xi32>
      %eq3A_11 = arith.cmpi eq, %iota3A, %eq3A_10 : vector<16xi32>
      %add3A_12 = arith.constant 0 : i32
      %add3A_13 = arith.addi %mul3A_4, %add3A_12 : i32
      %mul3A_14 = arith.constant 16 : i32
      %mul3A_15 = arith.muli %add3A_13, %mul3A_14 : i32
      %multiple_of3A = tpu.assume_multiple %mul3A_15, 16 : i32
      %get3A = arith.index_cast %multiple_of3A : i32 to index
      %get3A_16 = tpu.vector_load %arg6[%get3A] {strides = array<i32>} : memref<4096xf32, #tpu.memory_space<vmem>>, vector<16xf32>,
      %get3A_17 = vector.shape_cast %get3A_16 : vector<16xf32> to vector<16xf32>
      %select_n3A = arith.select %eq3A_11, %get3A_17, %broadcast_in_dim3A_5 : vector<16xi1>, vector<16xf32>
      %add3A_18 = arith.constant 0 : i32
      %add3A_19 = arith.addi %mul3A_4, %add3A_18 : i32
      %mul3A_20 = arith.constant 16 : i32
      %mul3A_21 = arith.muli %add3A_19, %mul3A_20 : i32
      %multiple_of3A_22 = tpu.assume_multiple %mul3A_21, 16 : i32
      %get3A_23 = arith.index_cast %multiple_of3A_22 : i32 to index
      %get3A_24 = tpu.vector_load %arg7[%get3A_23] {strides = array<i32>} : memref<4096xf32, #tpu.memory_space<vmem>>, vector<16xf32>,
      %get3A_25 = vector.shape_cast %get3A_24 : vector<16xf32> to vector<16xf32>
      %select_n3A_26 = arith.select %eq3A_11, %get3A_25, %broadcast_in_dim3A_7 : vector<16xi1>, vector<16xf32>
      %add3A_27 = arith.constant 0 : i32
      %add3A_28 = arith.addi %mul3A_4, %add3A_27 : i32
      %mul3A_29 = arith.constant 16 : i32
      %mul3A_30 = arith.muli %add3A_28, %mul3A_29 : i32
      %multiple_of3A_31 = tpu.assume_multiple %mul3A_30, 16 : i32
      %get3A_32 = arith.index_cast %multiple_of3A_31 : i32 to index
      %get3A_33 = tpu.vector_load %arg8[%get3A_32] {strides = array<i32>} : memref<4096xf32, #tpu.memory_space<vmem>>, vector<16xf32>,
      %get3A_34 = vector.shape_cast %get3A_33 : vector<16xf32> to vector<16xf32>
      %select_n3A_35 = arith.select %eq3A_11, %get3A_34, %broadcast_in_dim3A_9 : vector<16xi1>, vector<16xf32>
      %eq3A_36 = arith.constant 1 : i32
      %eq3A_37 = vector.broadcast %eq3A_36 : i32 to vector<16xi32>
      %eq3A_38 = arith.cmpi eq, %iota3A, %eq3A_37 : vector<16xi32>
      %add3A_39 = arith.constant 1 : i32
      %add3A_40 = arith.addi %mul3A_4, %add3A_39 : i32
      %mul3A_41 = arith.constant 16 : i32
      %mul3A_42 = arith.muli %add3A_40, %mul3A_41 : i32
      %multiple_of3A_43 = tpu.assume_multiple %mul3A_42, 16 : i32
      %get3A_44 = arith.index_cast %multiple_of3A_43 : i32 to index
      %get3A_45 = tpu.vector_load %arg6[%get3A_44] {strides = array<i32>} : memref<4096xf32, #tpu.memory_space<vmem>>, vector<16xf32>,
      %get3A_46 = vector.shape_cast %get3A_45 : vector<16xf32> to vector<16xf32>
      %select_n3A_47 = arith.select %eq3A_38, %get3A_46, %select_n3A : vector<16xi1>, vector<16xf32>
      %add3A_48 = arith.constant 1 : i32
      %add3A_49 = arith.addi %mul3A_4, %add3A_48 : i32
      %mul3A_50 = arith.constant 16 : i32
      %mul3A_51 = arith.muli %add3A_49, %mul3A_50 : i32
      %multiple_of3A_52 = tpu.assume_multiple %mul3A_51, 16 : i32
      %get3A_53 = arith.index_cast %multiple_of3A_52 : i32 to index
      %get3A_54 = tpu.vector_load %arg7[%get3A_53] {strides = array<i32>} : memref<4096xf32, #tpu.memory_space<vmem>>, vector<16xf32>,
      %get3A_55 = vector.shape_cast %get3A_54 : vector<16xf32> to vector<16xf32>
      %select_n3A_56 = arith.select %eq3A_38, %get3A_55, %select_n3A_26 : vector<16xi1>, vector<16xf32>
      %add3A_57 = arith.constant 1 : i32
      %add3A_58 = arith.addi %mul3A_4, %add3A_57 : i32
      %mul3A_59 = arith.constant 16 : i32
      %mul3A_60 = arith.muli %add3A_58, %mul3A_59 : i32
      %multiple_of3A_61 = tpu.assume_multiple %mul3A_60, 16 : i32
      %get3A_62 = arith.index_cast %multiple_of3A_61 : i32 to index
      %get3A_63 = tpu.vector_load %arg8[%get3A_62] {strides = array<i32>} : memref<4096xf32, #tpu.memory_space<vmem>>, vector<16xf32>,
      %get3A_64 = vector.shape_cast %get3A_63 : vector<16xf32> to vector<16xf32>
      %select_n3A_65 = arith.select %eq3A_38, %get3A_64, %select_n3A_35 : vector<16xi1>, vector<16xf32>
      %eq3A_66 = arith.constant 2 : i32
      %eq3A_67 = vector.broadcast %eq3A_66 : i32 to vector<16xi32>
      %eq3A_68 = arith.cmpi eq, %iota3A, %eq3A_67 : vector<16xi32>
      %add3A_69 = arith.constant 2 : i32
      %add3A_70 = arith.addi %mul3A_4, %add3A_69 : i32
      %mul3A_71 = arith.constant 16 : i32
      %mul3A_72 = arith.muli %add3A_70, %mul3A_71 : i32
      %multiple_of3A_73 = tpu.assume_multiple %mul3A_72, 16 : i32
      %get3A_74 = arith.index_cast %multiple_of3A_73 : i32 to index
      %get3A_75 = tpu.vector_load %arg6[%get3A_74] {strides = array<i32>} : memref<4096xf32, #tpu.memory_space<vmem>>, vector<16xf32>,
      %get3A_76 = vector.shape_cast %get3A_75 : vector<16xf32> to vector<16xf32>
      %select_n3A_77 = arith.select %eq3A_68, %get3A_76, %select_n3A_47 : vector<16xi1>, vector<16xf32>
      %add3A_78 = arith.constant 2 : i32
      %add3A_79 = arith.addi %mul3A_4, %add3A_78 : i32
      %mul3A_80 = arith.constant 16 : i32
      %mul3A_81 = arith.muli %add3A_79, %mul3A_80 : i32
      %multiple_of3A_82 = tpu.assume_multiple %mul3A_81, 16 : i32
      %get3A_83 = arith.index_cast %multiple_of3A_82 : i32 to index
      %get3A_84 = tpu.vector_load %arg7[%get3A_83] {strides = array<i32>} : memref<4096xf32, #tpu.memory_space<vmem>>, vector<16xf32>,
      %get3A_85 = vector.shape_cast %get3A_84 : vector<16xf32> to vector<16xf32>
      %select_n3A_86 = arith.select %eq3A_68, %get3A_85, %select_n3A_56 : vector<16xi1>, vector<16xf32>
      %add3A_87 = arith.constant 2 : i32
      %add3A_88 = arith.addi %mul3A_4, %add3A_87 : i32
      %mul3A_89 = arith.constant 16 : i32
      %mul3A_90 = arith.muli %add3A_88, %mul3A_89 : i32
      %multiple_of3A_91 = tpu.assume_multiple %mul3A_90, 16 : i32
      %get3A_92 = arith.index_cast %multiple_of3A_91 : i32 to index
      %get3A_93 = tpu.vector_load %arg8[%get3A_92] {strides = array<i32>} : memref<4096xf32, #tpu.memory_space<vmem>>, vector<16xf32>,
      %get3A_94 = vector.shape_cast %get3A_93 : vector<16xf32> to vector<16xf32>
      %select_n3A_95 = arith.select %eq3A_68, %get3A_94, %select_n3A_65 : vector<16xi1>, vector<16xf32>
      %eq3A_96 = arith.constant 3 : i32
      %eq3A_97 = vector.broadcast %eq3A_96 : i32 to vector<16xi32>
      %eq3A_98 = arith.cmpi eq, %iota3A, %eq3A_97 : vector<16xi32>
      %add3A_99 = arith.constant 3 : i32
      %add3A_100 = arith.addi %mul3A_4, %add3A_99 : i32
      %mul3A_101 = arith.constant 16 : i32
      %mul3A_102 = arith.muli %add3A_100, %mul3A_101 : i32
      %multiple_of3A_103 = tpu.assume_multiple %mul3A_102, 16 : i32
      %get3A_104 = arith.index_cast %multiple_of3A_103 : i32 to index
      %get3A_105 = tpu.vector_load %arg6[%get3A_104] {strides = array<i32>} : memref<4096xf32, #tpu.memory_space<vmem>>, vector<16xf32>,
      %get3A_106 = vector.shape_cast %get3A_105 : vector<16xf32> to vector<16xf32>
      %select_n3A_107 = arith.select %eq3A_98, %get3A_106, %select_n3A_77 : vector<16xi1>, vector<16xf32>
      %add3A_108 = arith.constant 3 : i32
      %add3A_109 = arith.addi %mul3A_4, %add3A_108 : i32
      %mul3A_110 = arith.constant 16 : i32
      %mul3A_111 = arith.muli %add3A_109, %mul3A_110 : i32
      %multiple_of3A_112 = tpu.assume_multiple %mul3A_111, 16 : i32
      %get3A_113 = arith.index_cast %multiple_of3A_112 : i32 to index
      %get3A_114 = tpu.vector_load %arg7[%get3A_113] {strides = array<i32>} : memref<4096xf32, #tpu.memory_space<vmem>>, vector<16xf32>,
      %get3A_115 = vector.shape_cast %get3A_114 : vector<16xf32> to vector<16xf32>
      %select_n3A_116 = arith.select %eq3A_98, %get3A_115, %select_n3A_86 : vector<16xi1>, vector<16xf32>
      %add3A_117 = arith.constant 3 : i32
      %add3A_118 = arith.addi %mul3A_4, %add3A_117 : i32
      %mul3A_119 = arith.constant 16 : i32
      %mul3A_120 = arith.muli %add3A_118, %mul3A_119 : i32
      %multiple_of3A_121 = tpu.assume_multiple %mul3A_120, 16 : i32
      %get3A_122 = arith.index_cast %multiple_of3A_121 : i32 to index
      %get3A_123 = tpu.vector_load %arg8[%get3A_122] {strides = array<i32>} : memref<4096xf32, #tpu.memory_space<vmem>>, vector<16xf32>,
      %get3A_124 = vector.shape_cast %get3A_123 : vector<16xf32> to vector<16xf32>
      %select_n3A_125 = arith.select %eq3A_98, %get3A_124, %select_n3A_95 : vector<16xi1>, vector<16xf32>
      %eq3A_126 = arith.constant 4 : i32
      %eq3A_127 = vector.broadcast %eq3A_126 : i32 to vector<16xi32>
      %eq3A_128 = arith.cmpi eq, %iota3A, %eq3A_127 : vector<16xi32>
      %add3A_129 = arith.constant 4 : i32
      %add3A_130 = arith.addi %mul3A_4, %add3A_129 : i32
      %mul3A_131 = arith.constant 16 : i32
      %mul3A_132 = arith.muli %add3A_130, %mul3A_131 : i32
      %multiple_of3A_133 = tpu.assume_multiple %mul3A_132, 16 : i32
      %get3A_134 = arith.index_cast %multiple_of3A_133 : i32 to index
      %get3A_135 = tpu.vector_load %arg6[%get3A_134] {strides = array<i32>} : memref<4096xf32, #tpu.memory_space<vmem>>, vector<16xf32>,
      %get3A_136 = vector.shape_cast %get3A_135 : vector<16xf32> to vector<16xf32>
      %select_n3A_137 = arith.select %eq3A_128, %get3A_136, %select_n3A_107 : vector<16xi1>, vector<16xf32>
      %add3A_138 = arith.constant 4 : i32
      %add3A_139 = arith.addi %mul3A_4, %add3A_138 : i32
      %mul3A_140 = arith.constant 16 : i32
      %mul3A_141 = arith.muli %add3A_139, %mul3A_140 : i32
      %multiple_of3A_142 = tpu.assume_multiple %mul3A_141, 16 : i32
      %get3A_143 = arith.index_cast %multiple_of3A_142 : i32 to index
      %get3A_144 = tpu.vector_load %arg7[%get3A_143] {strides = array<i32>} : memref<4096xf32, #tpu.memory_space<vmem>>, vector<16xf32>,
      %get3A_145 = vector.shape_cast %get3A_144 : vector<16xf32> to vector<16xf32>
      %select_n3A_146 = arith.select %eq3A_128, %get3A_145, %select_n3A_116 : vector<16xi1>, vector<16xf32>
      %add3A_147 = arith.constant 4 : i32
      %add3A_148 = arith.addi %mul3A_4, %add3A_147 : i32
      %mul3A_149 = arith.constant 16 : i32
      %mul3A_150 = arith.muli %add3A_148, %mul3A_149 : i32
      %multiple_of3A_151 = tpu.assume_multiple %mul3A_150, 16 : i32
      %get3A_152 = arith.index_cast %multiple_of3A_151 : i32 to index
      %get3A_153 = tpu.vector_load %arg8[%get3A_152] {strides = array<i32>} : memref<4096xf32, #tpu.memory_space<vmem>>, vector<16xf32>,
      %get3A_154 = vector.shape_cast %get3A_153 : vector<16xf32> to vector<16xf32>
      %select_n3A_155 = arith.select %eq3A_128, %get3A_154, %select_n3A_125 : vector<16xi1>, vector<16xf32>
      %eq3A_156 = arith.constant 5 : i32
      %eq3A_157 = vector.broadcast %eq3A_156 : i32 to vector<16xi32>
      %eq3A_158 = arith.cmpi eq, %iota3A, %eq3A_157 : vector<16xi32>
      %add3A_159 = arith.constant 5 : i32
      %add3A_160 = arith.addi %mul3A_4, %add3A_159 : i32
      %mul3A_161 = arith.constant 16 : i32
      %mul3A_162 = arith.muli %add3A_160, %mul3A_161 : i32
      %multiple_of3A_163 = tpu.assume_multiple %mul3A_162, 16 : i32
      %get3A_164 = arith.index_cast %multiple_of3A_163 : i32 to index
      %get3A_165 = tpu.vector_load %arg6[%get3A_164] {strides = array<i32>} : memref<4096xf32, #tpu.memory_space<vmem>>, vector<16xf32>,
      %get3A_166 = vector.shape_cast %get3A_165 : vector<16xf32> to vector<16xf32>
      %select_n3A_167 = arith.select %eq3A_158, %get3A_166, %select_n3A_137 : vector<16xi1>, vector<16xf32>
      %add3A_168 = arith.constant 5 : i32
      %add3A_169 = arith.addi %mul3A_4, %add3A_168 : i32
      %mul3A_170 = arith.constant 16 : i32
      %mul3A_171 = arith.muli %add3A_169, %mul3A_170 : i32
      %multiple_of3A_172 = tpu.assume_multiple %mul3A_171, 16 : i32
      %get3A_173 = arith.index_cast %multiple_of3A_172 : i32 to index
      %get3A_174 = tpu.vector_load %arg7[%get3A_173] {strides = array<i32>} : memref<4096xf32, #tpu.memory_space<vmem>>, vector<16xf32>,
      %get3A_175 = vector.shape_cast %get3A_174 : vector<16xf32> to vector<16xf32>
      %select_n3A_176 = arith.select %eq3A_158, %get3A_175, %select_n3A_146 : vector<16xi1>, vector<16xf32>
      %add3A_177 = arith.constant 5 : i32
      %add3A_178 = arith.addi %mul3A_4, %add3A_177 : i32
      %mul3A_179 = arith.constant 16 : i32
      %mul3A_180 = arith.muli %add3A_178, %mul3A_179 : i32
      %multiple_of3A_181 = tpu.assume_multiple %mul3A_180, 16 : i32
      %get3A_182 = arith.index_cast %multiple_of3A_181 : i32 to index
      %get3A_183 = tpu.vector_load %arg8[%get3A_182] {strides = array<i32>} : memref<4096xf32, #tpu.memory_space<vmem>>, vector<16xf32>,
      %get3A_184 = vector.shape_cast %get3A_183 : vector<16xf32> to vector<16xf32>
      %select_n3A_185 = arith.select %eq3A_158, %get3A_184, %select_n3A_155 : vector<16xi1>, vector<16xf32>
      %eq3A_186 = arith.constant 6 : i32
      %eq3A_187 = vector.broadcast %eq3A_186 : i32 to vector<16xi32>
      %eq3A_188 = arith.cmpi eq, %iota3A, %eq3A_187 : vector<16xi32>
      %add3A_189 = arith.constant 6 : i32
      %add3A_190 = arith.addi %mul3A_4, %add3A_189 : i32
      %mul3A_191 = arith.constant 16 : i32
      %mul3A_192 = arith.muli %add3A_190, %mul3A_191 : i32
      %multiple_of3A_193 = tpu.assume_multiple %mul3A_192, 16 : i32
      %get3A_194 = arith.index_cast %multiple_of3A_193 : i32 to index
      %get3A_195 = tpu.vector_load %arg6[%get3A_194] {strides = array<i32>} : memref<4096xf32, #tpu.memory_space<vmem>>, vector<16xf32>,
      %get3A_196 = vector.shape_cast %get3A_195 : vector<16xf32> to vector<16xf32>
      %select_n3A_197 = arith.select %eq3A_188, %get3A_196, %select_n3A_167 : vector<16xi1>, vector<16xf32>
      %add3A_198 = arith.constant 6 : i32
      %add3A_199 = arith.addi %mul3A_4, %add3A_198 : i32
      %mul3A_200 = arith.constant 16 : i32
      %mul3A_201 = arith.muli %add3A_199, %mul3A_200 : i32
      %multiple_of3A_202 = tpu.assume_multiple %mul3A_201, 16 : i32
      %get3A_203 = arith.index_cast %multiple_of3A_202 : i32 to index
      %get3A_204 = tpu.vector_load %arg7[%get3A_203] {strides = array<i32>} : memref<4096xf32, #tpu.memory_space<vmem>>, vector<16xf32>,
      %get3A_205 = vector.shape_cast %get3A_204 : vector<16xf32> to vector<16xf32>
      %select_n3A_206 = arith.select %eq3A_188, %get3A_205, %select_n3A_176 : vector<16xi1>, vector<16xf32>
      %add3A_207 = arith.constant 6 : i32
      %add3A_208 = arith.addi %mul3A_4, %add3A_207 : i32
      %mul3A_209 = arith.constant 16 : i32
      %mul3A_210 = arith.muli %add3A_208, %mul3A_209 : i32
      %multiple_of3A_211 = tpu.assume_multiple %mul3A_210, 16 : i32
      %get3A_212 = arith.index_cast %multiple_of3A_211 : i32 to index
      %get3A_213 = tpu.vector_load %arg8[%get3A_212] {strides = array<i32>} : memref<4096xf32, #tpu.memory_space<vmem>>, vector<16xf32>,
      %get3A_214 = vector.shape_cast %get3A_213 : vector<16xf32> to vector<16xf32>
      %select_n3A_215 = arith.select %eq3A_188, %get3A_214, %select_n3A_185 : vector<16xi1>, vector<16xf32>
      %eq3A_216 = arith.constant 7 : i32
      %eq3A_217 = vector.broadcast %eq3A_216 : i32 to vector<16xi32>
      %eq3A_218 = arith.cmpi eq, %iota3A, %eq3A_217 : vector<16xi32>
      %add3A_219 = arith.constant 7 : i32
      %add3A_220 = arith.addi %mul3A_4, %add3A_219 : i32
      %mul3A_221 = arith.constant 16 : i32
      %mul3A_222 = arith.muli %add3A_220, %mul3A_221 : i32
      %multiple_of3A_223 = tpu.assume_multiple %mul3A_222, 16 : i32
      %get3A_224 = arith.index_cast %multiple_of3A_223 : i32 to index
      %get3A_225 = tpu.vector_load %arg6[%get3A_224] {strides = array<i32>} : memref<4096xf32, #tpu.memory_space<vmem>>, vector<16xf32>,
      %get3A_226 = vector.shape_cast %get3A_225 : vector<16xf32> to vector<16xf32>
      %select_n3A_227 = arith.select %eq3A_218, %get3A_226, %select_n3A_197 : vector<16xi1>, vector<16xf32>
      %add3A_228 = arith.constant 7 : i32
      %add3A_229 = arith.addi %mul3A_4, %add3A_228 : i32
      %mul3A_230 = arith.constant 16 : i32
      %mul3A_231 = arith.muli %add3A_229, %mul3A_230 : i32
      %multiple_of3A_232 = tpu.assume_multiple %mul3A_231, 16 : i32
      %get3A_233 = arith.index_cast %multiple_of3A_232 : i32 to index
      %get3A_234 = tpu.vector_load %arg7[%get3A_233] {strides = array<i32>} : memref<4096xf32, #tpu.memory_space<vmem>>, vector<16xf32>,
      %get3A_235 = vector.shape_cast %get3A_234 : vector<16xf32> to vector<16xf32>
      %select_n3A_236 = arith.select %eq3A_218, %get3A_235, %select_n3A_206 : vector<16xi1>, vector<16xf32>
      %add3A_237 = arith.constant 7 : i32
      %add3A_238 = arith.addi %mul3A_4, %add3A_237 : i32
      %mul3A_239 = arith.constant 16 : i32
      %mul3A_240 = arith.muli %add3A_238, %mul3A_239 : i32
      %multiple_of3A_241 = tpu.assume_multiple %mul3A_240, 16 : i32
      %get3A_242 = arith.index_cast %multiple_of3A_241 : i32 to index
      %get3A_243 = tpu.vector_load %arg8[%get3A_242] {strides = array<i32>} : memref<4096xf32, #tpu.memory_space<vmem>>, vector<16xf32>,
      %get3A_244 = vector.shape_cast %get3A_243 : vector<16xf32> to vector<16xf32>
      %select_n3A_245 = arith.select %eq3A_218, %get3A_244, %select_n3A_215 : vector<16xi1>, vector<16xf32>
      %eq3A_246 = arith.constant 8 : i32
      %eq3A_247 = vector.broadcast %eq3A_246 : i32 to vector<16xi32>
      %eq3A_248 = arith.cmpi eq, %iota3A, %eq3A_247 : vector<16xi32>
      %add3A_249 = arith.constant 8 : i32
      %add3A_250 = arith.addi %mul3A_4, %add3A_249 : i32
      %mul3A_251 = arith.constant 16 : i32
      %mul3A_252 = arith.muli %add3A_250, %mul3A_251 : i32
      %multiple_of3A_253 = tpu.assume_multiple %mul3A_252, 16 : i32
      %get3A_254 = arith.index_cast %multiple_of3A_253 : i32 to index
      %get3A_255 = tpu.vector_load %arg6[%get3A_254] {strides = array<i32>} : memref<4096xf32, #tpu.memory_space<vmem>>, vector<16xf32>,
      %get3A_256 = vector.shape_cast %get3A_255 : vector<16xf32> to vector<16xf32>
      %select_n3A_257 = arith.select %eq3A_248, %get3A_256, %select_n3A_227 : vector<16xi1>, vector<16xf32>
      %add3A_258 = arith.constant 8 : i32
      %add3A_259 = arith.addi %mul3A_4, %add3A_258 : i32
      %mul3A_260 = arith.constant 16 : i32
      %mul3A_261 = arith.muli %add3A_259, %mul3A_260 : i32
      %multiple_of3A_262 = tpu.assume_multiple %mul3A_261, 16 : i32
      %get3A_263 = arith.index_cast %multiple_of3A_262 : i32 to index
      %get3A_264 = tpu.vector_load %arg7[%get3A_263] {strides = array<i32>} : memref<4096xf32, #tpu.memory_space<vmem>>, vector<16xf32>,
      %get3A_265 = vector.shape_cast %get3A_264 : vector<16xf32> to vector<16xf32>
      %select_n3A_266 = arith.select %eq3A_248, %get3A_265, %select_n3A_236 : vector<16xi1>, vector<16xf32>
      %add3A_267 = arith.constant 8 : i32
      %add3A_268 = arith.addi %mul3A_4, %add3A_267 : i32
      %mul3A_269 = arith.constant 16 : i32
      %mul3A_270 = arith.muli %add3A_268, %mul3A_269 : i32
      %multiple_of3A_271 = tpu.assume_multiple %mul3A_270, 16 : i32
      %get3A_272 = arith.index_cast %multiple_of3A_271 : i32 to index
      %get3A_273 = tpu.vector_load %arg8[%get3A_272] {strides = array<i32>} : memref<4096xf32, #tpu.memory_space<vmem>>, vector<16xf32>,
      %get3A_274 = vector.shape_cast %get3A_273 : vector<16xf32> to vector<16xf32>
      %select_n3A_275 = arith.select %eq3A_248, %get3A_274, %select_n3A_245 : vector<16xi1>, vector<16xf32>
      %eq3A_276 = arith.constant 9 : i32
      %eq3A_277 = vector.broadcast %eq3A_276 : i32 to vector<16xi32>
      %eq3A_278 = arith.cmpi eq, %iota3A, %eq3A_277 : vector<16xi32>
      %add3A_279 = arith.constant 9 : i32
      %add3A_280 = arith.addi %mul3A_4, %add3A_279 : i32
      %mul3A_281 = arith.constant 16 : i32
      %mul3A_282 = arith.muli %add3A_280, %mul3A_281 : i32
      %multiple_of3A_283 = tpu.assume_multiple %mul3A_282, 16 : i32
      %get3A_284 = arith.index_cast %multiple_of3A_283 : i32 to index
      %get3A_285 = tpu.vector_load %arg6[%get3A_284] {strides = array<i32>} : memref<4096xf32, #tpu.memory_space<vmem>>, vector<16xf32>,
      %get3A_286 = vector.shape_cast %get3A_285 : vector<16xf32> to vector<16xf32>
      %select_n3A_287 = arith.select %eq3A_278, %get3A_286, %select_n3A_257 : vector<16xi1>, vector<16xf32>
      %add3A_288 = arith.constant 9 : i32
      %add3A_289 = arith.addi %mul3A_4, %add3A_288 : i32
      %mul3A_290 = arith.constant 16 : i32
      %mul3A_291 = arith.muli %add3A_289, %mul3A_290 : i32
      %multiple_of3A_292 = tpu.assume_multiple %mul3A_291, 16 : i32
      %get3A_293 = arith.index_cast %multiple_of3A_292 : i32 to index
      %get3A_294 = tpu.vector_load %arg7[%get3A_293] {strides = array<i32>} : memref<4096xf32, #tpu.memory_space<vmem>>, vector<16xf32>,
      %get3A_295 = vector.shape_cast %get3A_294 : vector<16xf32> to vector<16xf32>
      %select_n3A_296 = arith.select %eq3A_278, %get3A_295, %select_n3A_266 : vector<16xi1>, vector<16xf32>
      %add3A_297 = arith.constant 9 : i32
      %add3A_298 = arith.addi %mul3A_4, %add3A_297 : i32
      %mul3A_299 = arith.constant 16 : i32
      %mul3A_300 = arith.muli %add3A_298, %mul3A_299 : i32
      %multiple_of3A_301 = tpu.assume_multiple %mul3A_300, 16 : i32
      %get3A_302 = arith.index_cast %multiple_of3A_301 : i32 to index
      %get3A_303 = tpu.vector_load %arg8[%get3A_302] {strides = array<i32>} : memref<4096xf32, #tpu.memory_space<vmem>>, vector<16xf32>,
      %get3A_304 = vector.shape_cast %get3A_303 : vector<16xf32> to vector<16xf32>
      %select_n3A_305 = arith.select %eq3A_278, %get3A_304, %select_n3A_275 : vector<16xi1>, vector<16xf32>
      %eq3A_306 = arith.constant 10 : i32
      %eq3A_307 = vector.broadcast %eq3A_306 : i32 to vector<16xi32>
      %eq3A_308 = arith.cmpi eq, %iota3A, %eq3A_307 : vector<16xi32>
      %add3A_309 = arith.constant 10 : i32
      %add3A_310 = arith.addi %mul3A_4, %add3A_309 : i32
      %mul3A_311 = arith.constant 16 : i32
      %mul3A_312 = arith.muli %add3A_310, %mul3A_311 : i32
      %multiple_of3A_313 = tpu.assume_multiple %mul3A_312, 16 : i32
      %get3A_314 = arith.index_cast %multiple_of3A_313 : i32 to index
      %get3A_315 = tpu.vector_load %arg6[%get3A_314] {strides = array<i32>} : memref<4096xf32, #tpu.memory_space<vmem>>, vector<16xf32>,
      %get3A_316 = vector.shape_cast %get3A_315 : vector<16xf32> to vector<16xf32>
      %select_n3A_317 = arith.select %eq3A_308, %get3A_316, %select_n3A_287 : vector<16xi1>, vector<16xf32>
      %add3A_318 = arith.constant 10 : i32
      %add3A_319 = arith.addi %mul3A_4, %add3A_318 : i32
      %mul3A_320 = arith.constant 16 : i32
      %mul3A_321 = arith.muli %add3A_319, %mul3A_320 : i32
      %multiple_of3A_322 = tpu.assume_multiple %mul3A_321, 16 : i32
      %get3A_323 = arith.index_cast %multiple_of3A_322 : i32 to index
      %get3A_324 = tpu.vector_load %arg7[%get3A_323] {strides = array<i32>} : memref<4096xf32, #tpu.memory_space<vmem>>, vector<16xf32>,
      %get3A_325 = vector.shape_cast %get3A_324 : vector<16xf32> to vector<16xf32>
      %select_n3A_326 = arith.select %eq3A_308, %get3A_325, %select_n3A_296 : vector<16xi1>, vector<16xf32>
      %add3A_327 = arith.constant 10 : i32
      %add3A_328 = arith.addi %mul3A_4, %add3A_327 : i32
      %mul3A_329 = arith.constant 16 : i32
      %mul3A_330 = arith.muli %add3A_328, %mul3A_329 : i32
      %multiple_of3A_331 = tpu.assume_multiple %mul3A_330, 16 : i32
      %get3A_332 = arith.index_cast %multiple_of3A_331 : i32 to index
      %get3A_333 = tpu.vector_load %arg8[%get3A_332] {strides = array<i32>} : memref<4096xf32, #tpu.memory_space<vmem>>, vector<16xf32>,
      %get3A_334 = vector.shape_cast %get3A_333 : vector<16xf32> to vector<16xf32>
      %select_n3A_335 = arith.select %eq3A_308, %get3A_334, %select_n3A_305 : vector<16xi1>, vector<16xf32>
      %eq3A_336 = arith.constant 11 : i32
      %eq3A_337 = vector.broadcast %eq3A_336 : i32 to vector<16xi32>
      %eq3A_338 = arith.cmpi eq, %iota3A, %eq3A_337 : vector<16xi32>
      %add3A_339 = arith.constant 11 : i32
      %add3A_340 = arith.addi %mul3A_4, %add3A_339 : i32
      %mul3A_341 = arith.constant 16 : i32
      %mul3A_342 = arith.muli %add3A_340, %mul3A_341 : i32
      %multiple_of3A_343 = tpu.assume_multiple %mul3A_342, 16 : i32
      %get3A_344 = arith.index_cast %multiple_of3A_343 : i32 to index
      %get3A_345 = tpu.vector_load %arg6[%get3A_344] {strides = array<i32>} : memref<4096xf32, #tpu.memory_space<vmem>>, vector<16xf32>,
      %get3A_346 = vector.shape_cast %get3A_345 : vector<16xf32> to vector<16xf32>
      %select_n3A_347 = arith.select %eq3A_338, %get3A_346, %select_n3A_317 : vector<16xi1>, vector<16xf32>
      %add3A_348 = arith.constant 11 : i32
      %add3A_349 = arith.addi %mul3A_4, %add3A_348 : i32
      %mul3A_350 = arith.constant 16 : i32
      %mul3A_351 = arith.muli %add3A_349, %mul3A_350 : i32
      %multiple_of3A_352 = tpu.assume_multiple %mul3A_351, 16 : i32
      %get3A_353 = arith.index_cast %multiple_of3A_352 : i32 to index
      %get3A_354 = tpu.vector_load %arg7[%get3A_353] {strides = array<i32>} : memref<4096xf32, #tpu.memory_space<vmem>>, vector<16xf32>,
      %get3A_355 = vector.shape_cast %get3A_354 : vector<16xf32> to vector<16xf32>
      %select_n3A_356 = arith.select %eq3A_338, %get3A_355, %select_n3A_326 : vector<16xi1>, vector<16xf32>
      %add3A_357 = arith.constant 11 : i32
      %add3A_358 = arith.addi %mul3A_4, %add3A_357 : i32
      %mul3A_359 = arith.constant 16 : i32
      %mul3A_360 = arith.muli %add3A_358, %mul3A_359 : i32
      %multiple_of3A_361 = tpu.assume_multiple %mul3A_360, 16 : i32
      %get3A_362 = arith.index_cast %multiple_of3A_361 : i32 to index
      %get3A_363 = tpu.vector_load %arg8[%get3A_362] {strides = array<i32>} : memref<4096xf32, #tpu.memory_space<vmem>>, vector<16xf32>,
      %get3A_364 = vector.shape_cast %get3A_363 : vector<16xf32> to vector<16xf32>
      %select_n3A_365 = arith.select %eq3A_338, %get3A_364, %select_n3A_335 : vector<16xi1>, vector<16xf32>
      %eq3A_366 = arith.constant 12 : i32
      %eq3A_367 = vector.broadcast %eq3A_366 : i32 to vector<16xi32>
      %eq3A_368 = arith.cmpi eq, %iota3A, %eq3A_367 : vector<16xi32>
      %add3A_369 = arith.constant 12 : i32
      %add3A_370 = arith.addi %mul3A_4, %add3A_369 : i32
      %mul3A_371 = arith.constant 16 : i32
      %mul3A_372 = arith.muli %add3A_370, %mul3A_371 : i32
      %multiple_of3A_373 = tpu.assume_multiple %mul3A_372, 16 : i32
      %get3A_374 = arith.index_cast %multiple_of3A_373 : i32 to index
      %get3A_375 = tpu.vector_load %arg6[%get3A_374] {strides = array<i32>} : memref<4096xf32, #tpu.memory_space<vmem>>, vector<16xf32>,
      %get3A_376 = vector.shape_cast %get3A_375 : vector<16xf32> to vector<16xf32>
      %select_n3A_377 = arith.select %eq3A_368, %get3A_376, %select_n3A_347 : vector<16xi1>, vector<16xf32>
      %add3A_378 = arith.constant 12 : i32
      %add3A_379 = arith.addi %mul3A_4, %add3A_378 : i32
      %mul3A_380 = arith.constant 16 : i32
      %mul3A_381 = arith.muli %add3A_379, %mul3A_380 : i32
      %multiple_of3A_382 = tpu.assume_multiple %mul3A_381, 16 : i32
      %get3A_383 = arith.index_cast %multiple_of3A_382 : i32 to index
      %get3A_384 = tpu.vector_load %arg7[%get3A_383] {strides = array<i32>} : memref<4096xf32, #tpu.memory_space<vmem>>, vector<16xf32>,
      %get3A_385 = vector.shape_cast %get3A_384 : vector<16xf32> to vector<16xf32>
      %select_n3A_386 = arith.select %eq3A_368, %get3A_385, %select_n3A_356 : vector<16xi1>, vector<16xf32>
      %add3A_387 = arith.constant 12 : i32
      %add3A_388 = arith.addi %mul3A_4, %add3A_387 : i32
      %mul3A_389 = arith.constant 16 : i32
      %mul3A_390 = arith.muli %add3A_388, %mul3A_389 : i32
      %multiple_of3A_391 = tpu.assume_multiple %mul3A_390, 16 : i32
      %get3A_392 = arith.index_cast %multiple_of3A_391 : i32 to index
      %get3A_393 = tpu.vector_load %arg8[%get3A_392] {strides = array<i32>} : memref<4096xf32, #tpu.memory_space<vmem>>, vector<16xf32>,
      %get3A_394 = vector.shape_cast %get3A_393 : vector<16xf32> to vector<16xf32>
      %select_n3A_395 = arith.select %eq3A_368, %get3A_394, %select_n3A_365 : vector<16xi1>, vector<16xf32>
      %eq3A_396 = arith.constant 13 : i32
      %eq3A_397 = vector.broadcast %eq3A_396 : i32 to vector<16xi32>
      %eq3A_398 = arith.cmpi eq, %iota3A, %eq3A_397 : vector<16xi32>
      %add3A_399 = arith.constant 13 : i32
      %add3A_400 = arith.addi %mul3A_4, %add3A_399 : i32
      %mul3A_401 = arith.constant 16 : i32
      %mul3A_402 = arith.muli %add3A_400, %mul3A_401 : i32
      %multiple_of3A_403 = tpu.assume_multiple %mul3A_402, 16 : i32
      %get3A_404 = arith.index_cast %multiple_of3A_403 : i32 to index
      %get3A_405 = tpu.vector_load %arg6[%get3A_404] {strides = array<i32>} : memref<4096xf32, #tpu.memory_space<vmem>>, vector<16xf32>,
      %get3A_406 = vector.shape_cast %get3A_405 : vector<16xf32> to vector<16xf32>
      %select_n3A_407 = arith.select %eq3A_398, %get3A_406, %select_n3A_377 : vector<16xi1>, vector<16xf32>
      %add3A_408 = arith.constant 13 : i32
      %add3A_409 = arith.addi %mul3A_4, %add3A_408 : i32
      %mul3A_410 = arith.constant 16 : i32
      %mul3A_411 = arith.muli %add3A_409, %mul3A_410 : i32
      %multiple_of3A_412 = tpu.assume_multiple %mul3A_411, 16 : i32
      %get3A_413 = arith.index_cast %multiple_of3A_412 : i32 to index
      %get3A_414 = tpu.vector_load %arg7[%get3A_413] {strides = array<i32>} : memref<4096xf32, #tpu.memory_space<vmem>>, vector<16xf32>,
      %get3A_415 = vector.shape_cast %get3A_414 : vector<16xf32> to vector<16xf32>
      %select_n3A_416 = arith.select %eq3A_398, %get3A_415, %select_n3A_386 : vector<16xi1>, vector<16xf32>
      %add3A_417 = arith.constant 13 : i32
      %add3A_418 = arith.addi %mul3A_4, %add3A_417 : i32
      %mul3A_419 = arith.constant 16 : i32
      %mul3A_420 = arith.muli %add3A_418, %mul3A_419 : i32
      %multiple_of3A_421 = tpu.assume_multiple %mul3A_420, 16 : i32
      %get3A_422 = arith.index_cast %multiple_of3A_421 : i32 to index
      %get3A_423 = tpu.vector_load %arg8[%get3A_422] {strides = array<i32>} : memref<4096xf32, #tpu.memory_space<vmem>>, vector<16xf32>,
      %get3A_424 = vector.shape_cast %get3A_423 : vector<16xf32> to vector<16xf32>
      %select_n3A_425 = arith.select %eq3A_398, %get3A_424, %select_n3A_395 : vector<16xi1>, vector<16xf32>
      %eq3A_426 = arith.constant 14 : i32
      %eq3A_427 = vector.broadcast %eq3A_426 : i32 to vector<16xi32>
      %eq3A_428 = arith.cmpi eq, %iota3A, %eq3A_427 : vector<16xi32>
      %add3A_429 = arith.constant 14 : i32
      %add3A_430 = arith.addi %mul3A_4, %add3A_429 : i32
      %mul3A_431 = arith.constant 16 : i32
      %mul3A_432 = arith.muli %add3A_430, %mul3A_431 : i32
      %multiple_of3A_433 = tpu.assume_multiple %mul3A_432, 16 : i32
      %get3A_434 = arith.index_cast %multiple_of3A_433 : i32 to index
      %get3A_435 = tpu.vector_load %arg6[%get3A_434] {strides = array<i32>} : memref<4096xf32, #tpu.memory_space<vmem>>, vector<16xf32>,
      %get3A_436 = vector.shape_cast %get3A_435 : vector<16xf32> to vector<16xf32>
      %select_n3A_437 = arith.select %eq3A_428, %get3A_436, %select_n3A_407 : vector<16xi1>, vector<16xf32>
      %add3A_438 = arith.constant 14 : i32
      %add3A_439 = arith.addi %mul3A_4, %add3A_438 : i32
      %mul3A_440 = arith.constant 16 : i32
      %mul3A_441 = arith.muli %add3A_439, %mul3A_440 : i32
      %multiple_of3A_442 = tpu.assume_multiple %mul3A_441, 16 : i32
      %get3A_443 = arith.index_cast %multiple_of3A_442 : i32 to index
      %get3A_444 = tpu.vector_load %arg7[%get3A_443] {strides = array<i32>} : memref<4096xf32, #tpu.memory_space<vmem>>, vector<16xf32>,
      %get3A_445 = vector.shape_cast %get3A_444 : vector<16xf32> to vector<16xf32>
      %select_n3A_446 = arith.select %eq3A_428, %get3A_445, %select_n3A_416 : vector<16xi1>, vector<16xf32>
      %add3A_447 = arith.constant 14 : i32
      %add3A_448 = arith.addi %mul3A_4, %add3A_447 : i32
      %mul3A_449 = arith.constant 16 : i32
      %mul3A_450 = arith.muli %add3A_448, %mul3A_449 : i32
      %multiple_of3A_451 = tpu.assume_multiple %mul3A_450, 16 : i32
      %get3A_452 = arith.index_cast %multiple_of3A_451 : i32 to index
      %get3A_453 = tpu.vector_load %arg8[%get3A_452] {strides = array<i32>} : memref<4096xf32, #tpu.memory_space<vmem>>, vector<16xf32>,
      %get3A_454 = vector.shape_cast %get3A_453 : vector<16xf32> to vector<16xf32>
      %select_n3A_455 = arith.select %eq3A_428, %get3A_454, %select_n3A_425 : vector<16xi1>, vector<16xf32>
      %eq3A_456 = arith.constant 15 : i32
      %eq3A_457 = vector.broadcast %eq3A_456 : i32 to vector<16xi32>
      %eq3A_458 = arith.cmpi eq, %iota3A, %eq3A_457 : vector<16xi32>
      %add3A_459 = arith.constant 15 : i32
      %add3A_460 = arith.addi %mul3A_4, %add3A_459 : i32
      %mul3A_461 = arith.constant 16 : i32
      %mul3A_462 = arith.muli %add3A_460, %mul3A_461 : i32
      %multiple_of3A_463 = tpu.assume_multiple %mul3A_462, 16 : i32
      %get3A_464 = arith.index_cast %multiple_of3A_463 : i32 to index
      %get3A_465 = tpu.vector_load %arg6[%get3A_464] {strides = array<i32>} : memref<4096xf32, #tpu.memory_space<vmem>>, vector<16xf32>,
      %get3A_466 = vector.shape_cast %get3A_465 : vector<16xf32> to vector<16xf32>
      %select_n3A_467 = arith.select %eq3A_458, %get3A_466, %select_n3A_437 : vector<16xi1>, vector<16xf32>
      %add3A_468 = arith.constant 15 : i32
      %add3A_469 = arith.addi %mul3A_4, %add3A_468 : i32
      %mul3A_470 = arith.constant 16 : i32
      %mul3A_471 = arith.muli %add3A_469, %mul3A_470 : i32
      %multiple_of3A_472 = tpu.assume_multiple %mul3A_471, 16 : i32
      %get3A_473 = arith.index_cast %multiple_of3A_472 : i32 to index
      %get3A_474 = tpu.vector_load %arg7[%get3A_473] {strides = array<i32>} : memref<4096xf32, #tpu.memory_space<vmem>>, vector<16xf32>,
      %get3A_475 = vector.shape_cast %get3A_474 : vector<16xf32> to vector<16xf32>
      %select_n3A_476 = arith.select %eq3A_458, %get3A_475, %select_n3A_446 : vector<16xi1>, vector<16xf32>
      %add3A_477 = arith.constant 15 : i32
      %add3A_478 = arith.addi %mul3A_4, %add3A_477 : i32
      %mul3A_479 = arith.constant 16 : i32
      %mul3A_480 = arith.muli %add3A_478, %mul3A_479 : i32
      %multiple_of3A_481 = tpu.assume_multiple %mul3A_480, 16 : i32
      %get3A_482 = arith.index_cast %multiple_of3A_481 : i32 to index
      %get3A_483 = tpu.vector_load %arg8[%get3A_482] {strides = array<i32>} : memref<4096xf32, #tpu.memory_space<vmem>>, vector<16xf32>,
      %get3A_484 = vector.shape_cast %get3A_483 : vector<16xf32> to vector<16xf32>
      %select_n3A_485 = arith.select %eq3A_458, %get3A_484, %select_n3A_455 : vector<16xi1>, vector<16xf32>
      %bitcast_convert_type3A = tpu.bitcast %select_n3A_467 : vector<16xf32> -> vector<16xi32>
      %add3A_486 = arith.constant 32767 : i32
      %add3A_487 = vector.broadcast %add3A_486 : i32 to vector<16xi32>
      %add3A_488 = arith.addi %bitcast_convert_type3A, %add3A_487 : vector<16xi32>
      %shift_right_logical3A = arith.constant 16 : i32
      %shift_right_logical3A_489 = vector.broadcast %shift_right_logical3A : i32 to vector<16xi32>
      %shift_right_logical3A_490 = arith.shrui %bitcast_convert_type3A, %shift_right_logical3A_489 : vector<16xi32>
      %and3A = arith.constant 1 : i32
      %and3A_491 = vector.broadcast %and3A : i32 to vector<16xi32>
      %and3A_492 = arith.andi %shift_right_logical3A_490, %and3A_491 : vector<16xi32>
      %add3A_493 = arith.addi %add3A_488, %and3A_492 : vector<16xi32>
      %and3A_494 = arith.constant -65536 : i32
      %and3A_495 = vector.broadcast %and3A_494 : i32 to vector<16xi32>
      %and3A_496 = arith.andi %add3A_493, %and3A_495 : vector<16xi32>
      %bitcast_convert_type3A_497 = tpu.bitcast %and3A_496 : vector<16xi32> -> vector<16xf32>
      %bitcast_convert_type3A_498 = tpu.bitcast %select_n3A_476 : vector<16xf32> -> vector<16xi32>
      %add3A_499 = arith.constant 32767 : i32
      %add3A_500 = vector.broadcast %add3A_499 : i32 to vector<16xi32>
      %add3A_501 = arith.addi %bitcast_convert_type3A_498, %add3A_500 : vector<16xi32>
      %shift_right_logical3A_502 = arith.constant 16 : i32
      %shift_right_logical3A_503 = vector.broadcast %shift_right_logical3A_502 : i32 to vector<16xi32>
      %shift_right_logical3A_504 = arith.shrui %bitcast_convert_type3A_498, %shift_right_logical3A_503 : vector<16xi32>
      %and3A_505 = arith.constant 1 : i32
      %and3A_506 = vector.broadcast %and3A_505 : i32 to vector<16xi32>
      %and3A_507 = arith.andi %shift_right_logical3A_504, %and3A_506 : vector<16xi32>
      %add3A_508 = arith.addi %add3A_501, %and3A_507 : vector<16xi32>
      %and3A_509 = arith.constant -65536 : i32
      %and3A_510 = vector.broadcast %and3A_509 : i32 to vector<16xi32>
      %and3A_511 = arith.andi %add3A_508, %and3A_510 : vector<16xi32>
      %bitcast_convert_type3A_512 = tpu.bitcast %and3A_511 : vector<16xi32> -> vector<16xf32>
      %bitcast_convert_type3A_513 = tpu.bitcast %select_n3A_485 : vector<16xf32> -> vector<16xi32>
      %add3A_514 = arith.constant 32767 : i32
      %add3A_515 = vector.broadcast %add3A_514 : i32 to vector<16xi32>
      %add3A_516 = arith.addi %bitcast_convert_type3A_513, %add3A_515 : vector<16xi32>
      %shift_right_logical3A_517 = arith.constant 16 : i32
      %shift_right_logical3A_518 = vector.broadcast %shift_right_logical3A_517 : i32 to vector<16xi32>
      %shift_right_logical3A_519 = arith.shrui %bitcast_convert_type3A_513, %shift_right_logical3A_518 : vector<16xi32>
      %and3A_520 = arith.constant 1 : i32
      %and3A_521 = vector.broadcast %and3A_520 : i32 to vector<16xi32>
      %and3A_522 = arith.andi %shift_right_logical3A_519, %and3A_521 : vector<16xi32>
      %add3A_523 = arith.addi %add3A_516, %and3A_522 : vector<16xi32>
      %and3A_524 = arith.constant -65536 : i32
      %and3A_525 = vector.broadcast %and3A_524 : i32 to vector<16xi32>
      %and3A_526 = arith.andi %add3A_523, %and3A_525 : vector<16xi32>
      %bitcast_convert_type3A_527 = tpu.bitcast %and3A_526 : vector<16xi32> -> vector<16xf32>
      %mul3A_528 = arith.mulf %select_n3A_467, %select_n3A_467 : vector<16xf32>
      %mul3A_529 = arith.mulf %select_n3A_476, %select_n3A_476 : vector<16xf32>
      %add3A_530 = arith.addf %mul3A_528, %mul3A_529 : vector<16xf32>
      %mul3A_531 = arith.mulf %select_n3A_485, %select_n3A_485 : vector<16xf32>
      %add3A_532 = arith.addf %add3A_530, %mul3A_531 : vector<16xf32>
      %broadcast_in_dim3A_533 = arith.constant 3.000000e+38 : f32
      %broadcast_in_dim3A_534 = vector.broadcast %broadcast_in_dim3A_533 : f32 to vector<16xf32>
      %broadcast_in_dim3A_535 = arith.constant 0 : i32
      %broadcast_in_dim3A_536 = vector.broadcast %broadcast_in_dim3A_535 : i32 to vector<16xi32>
      %scan3A = arith.constant 0 : i32
      %scan3A_537 = arith.constant 256 : i32
      %scan3A_538 = arith.addi %scan3A, %scan3A_537 : i32
      %scan3A_539 = arith.constant 1 : i32
      %scan3A_540:8 = scf.for %scan3A_557 = %scan3A to %scan3A_538 step %scan3A_539 iter_args(%scan3A_558 = %broadcast_in_dim3A_534, %scan3A_559 = %broadcast_in_dim3A_534, %scan3A_560 = %broadcast_in_dim3A_534, %scan3A_561 = %broadcast_in_dim3A_534, %scan3A_562 = %broadcast_in_dim3A_536, %scan3A_563 = %broadcast_in_dim3A_536, %scan3A_564 = %broadcast_in_dim3A_536, %scan3A_565 = %broadcast_in_dim3A_536) -> (vector<16xf32>, vector<16xf32>, vector<16xf32>, vector<16xf32>, vector<16xi32>, vector<16xi32>, vector<16xi32>, vector<16xi32>)  : i32 {
        %broadcast_in_dim3A_566 = arith.constant 1 : i32
        %broadcast_in_dim3A_567 = vector.broadcast %broadcast_in_dim3A_566 : i32 to vector<16xi32>
        %mul3A_568 = vector.broadcast %scan3A_557 : i32 to vector<16xi32>
        %mul3A_569 = arith.muli %broadcast_in_dim3A_567, %mul3A_568 : vector<16xi32>
        %mul3A_570 = arith.constant 16 : i32
        %mul3A_571 = arith.muli %scan3A_557, %mul3A_570 : i32
        %multiple_of3A_572 = tpu.assume_multiple %mul3A_571, 16 : i32
        %get3A_573 = arith.index_cast %multiple_of3A_572 : i32 to index
        %get3A_574 = tpu.vector_load %arg6[%get3A_573] {strides = array<i32>} : memref<4096xf32, #tpu.memory_space<vmem>>, vector<16xf32>,
        %get3A_575 = vector.shape_cast %get3A_574 : vector<16xf32> to vector<16xf32>
        %mul3A_576 = arith.constant 16 : i32
        %mul3A_577 = arith.muli %scan3A_557, %mul3A_576 : i32
        %multiple_of3A_578 = tpu.assume_multiple %mul3A_577, 16 : i32
        %get3A_579 = arith.index_cast %multiple_of3A_578 : i32 to index
        %get3A_580 = tpu.vector_load %arg7[%get3A_579] {strides = array<i32>} : memref<4096xf32, #tpu.memory_space<vmem>>, vector<16xf32>,
        %get3A_581 = vector.shape_cast %get3A_580 : vector<16xf32> to vector<16xf32>
        %mul3A_582 = arith.constant 16 : i32
        %mul3A_583 = arith.muli %scan3A_557, %mul3A_582 : i32
        %multiple_of3A_584 = tpu.assume_multiple %mul3A_583, 16 : i32
        %get3A_585 = arith.index_cast %multiple_of3A_584 : i32 to index
        %get3A_586 = tpu.vector_load %arg8[%get3A_585] {strides = array<i32>} : memref<4096xf32, #tpu.memory_space<vmem>>, vector<16xf32>,
        %get3A_587 = vector.shape_cast %get3A_586 : vector<16xf32> to vector<16xf32>
        %bitcast_convert_type3A_588 = tpu.bitcast %get3A_575 : vector<16xf32> -> vector<16xi32>
        %add3A_589 = arith.constant 32767 : i32
        %add3A_590 = vector.broadcast %add3A_589 : i32 to vector<16xi32>
        %add3A_591 = arith.addi %bitcast_convert_type3A_588, %add3A_590 : vector<16xi32>
        %shift_right_logical3A_592 = arith.constant 16 : i32
        %shift_right_logical3A_593 = vector.broadcast %shift_right_logical3A_592 : i32 to vector<16xi32>
        %shift_right_logical3A_594 = arith.shrui %bitcast_convert_type3A_588, %shift_right_logical3A_593 : vector<16xi32>
        %and3A_595 = arith.constant 1 : i32
        %and3A_596 = vector.broadcast %and3A_595 : i32 to vector<16xi32>
        %and3A_597 = arith.andi %shift_right_logical3A_594, %and3A_596 : vector<16xi32>
        %add3A_598 = arith.addi %add3A_591, %and3A_597 : vector<16xi32>
        %and3A_599 = arith.constant -65536 : i32
        %and3A_600 = vector.broadcast %and3A_599 : i32 to vector<16xi32>
        %and3A_601 = arith.andi %add3A_598, %and3A_600 : vector<16xi32>
        %bitcast_convert_type3A_602 = tpu.bitcast %and3A_601 : vector<16xi32> -> vector<16xf32>
        %bitcast_convert_type3A_603 = tpu.bitcast %get3A_581 : vector<16xf32> -> vector<16xi32>
        %add3A_604 = arith.constant 32767 : i32
        %add3A_605 = vector.broadcast %add3A_604 : i32 to vector<16xi32>
        %add3A_606 = arith.addi %bitcast_convert_type3A_603, %add3A_605 : vector<16xi32>
        %shift_right_logical3A_607 = arith.constant 16 : i32
        %shift_right_logical3A_608 = vector.broadcast %shift_right_logical3A_607 : i32 to vector<16xi32>
        %shift_right_logical3A_609 = arith.shrui %bitcast_convert_type3A_603, %shift_right_logical3A_608 : vector<16xi32>
        %and3A_610 = arith.constant 1 : i32
        %and3A_611 = vector.broadcast %and3A_610 : i32 to vector<16xi32>
        %and3A_612 = arith.andi %shift_right_logical3A_609, %and3A_611 : vector<16xi32>
        %add3A_613 = arith.addi %add3A_606, %and3A_612 : vector<16xi32>
        %and3A_614 = arith.constant -65536 : i32
        %and3A_615 = vector.broadcast %and3A_614 : i32 to vector<16xi32>
        %and3A_616 = arith.andi %add3A_613, %and3A_615 : vector<16xi32>
        %bitcast_convert_type3A_617 = tpu.bitcast %and3A_616 : vector<16xi32> -> vector<16xf32>
        %bitcast_convert_type3A_618 = tpu.bitcast %get3A_587 : vector<16xf32> -> vector<16xi32>
        %add3A_619 = arith.constant 32767 : i32
        %add3A_620 = vector.broadcast %add3A_619 : i32 to vector<16xi32>
        %add3A_621 = arith.addi %bitcast_convert_type3A_618, %add3A_620 : vector<16xi32>
        %shift_right_logical3A_622 = arith.constant 16 : i32
        %shift_right_logical3A_623 = vector.broadcast %shift_right_logical3A_622 : i32 to vector<16xi32>
        %shift_right_logical3A_624 = arith.shrui %bitcast_convert_type3A_618, %shift_right_logical3A_623 : vector<16xi32>
        %and3A_625 = arith.constant 1 : i32
        %and3A_626 = vector.broadcast %and3A_625 : i32 to vector<16xi32>
        %and3A_627 = arith.andi %shift_right_logical3A_624, %and3A_626 : vector<16xi32>
        %add3A_628 = arith.addi %add3A_621, %and3A_627 : vector<16xi32>
        %and3A_629 = arith.constant -65536 : i32
        %and3A_630 = vector.broadcast %and3A_629 : i32 to vector<16xi32>
        %and3A_631 = arith.andi %add3A_628, %and3A_630 : vector<16xi32>
        %bitcast_convert_type3A_632 = tpu.bitcast %and3A_631 : vector<16xi32> -> vector<16xf32>
        %mul3A_633 = arith.mulf %bitcast_convert_type3A_497, %bitcast_convert_type3A_602 : vector<16xf32>
        %mul3A_634 = arith.mulf %bitcast_convert_type3A_512, %bitcast_convert_type3A_617 : vector<16xf32>
        %add3A_635 = arith.addf %mul3A_633, %mul3A_634 : vector<16xf32>
        %mul3A_636 = arith.mulf %bitcast_convert_type3A_527, %bitcast_convert_type3A_632 : vector<16xf32>
        %add3A_637 = arith.addf %add3A_635, %mul3A_636 : vector<16xf32>
        %mul3A_638 = arith.mulf %get3A_575, %get3A_575 : vector<16xf32>
        %mul3A_639 = arith.mulf %get3A_581, %get3A_581 : vector<16xf32>
        %add3A_640 = arith.addf %mul3A_638, %mul3A_639 : vector<16xf32>
        %mul3A_641 = arith.mulf %get3A_587, %get3A_587 : vector<16xf32>
        %add3A_642 = arith.addf %add3A_640, %mul3A_641 : vector<16xf32>
        %add3A_643 = arith.addf %add3A_532, %add3A_642 : vector<16xf32>
        %mul3A_644 = arith.constant 2.000000e+00 : f32
        %mul3A_645 = vector.broadcast %mul3A_644 : f32 to vector<16xf32>
        %mul3A_646 = arith.mulf %mul3A_645, %add3A_637 : vector<16xf32>
        %sub3A = arith.subf %add3A_643, %mul3A_646 : vector<16xf32>
        %max3A = arith.constant 0.000000e+00 : f32
        %max3A_647 = vector.broadcast %max3A : f32 to vector<16xf32>
        %max3A_648 = arith.maximumf %sub3A, %max3A_647 : vector<16xf32>
        %lt3A_649 = arith.cmpf olt, %max3A_648, %scan3A_558 : vector<16xf32>
        %lt3A_650 = arith.cmpf olt, %max3A_648, %scan3A_559 : vector<16xf32>
        %lt3A_651 = arith.cmpf olt, %max3A_648, %scan3A_560 : vector<16xf32>
        %lt3A_652 = arith.cmpf olt, %max3A_648, %scan3A_561 : vector<16xf32>
        %select_n3A_653 = arith.select %lt3A_651, %scan3A_560, %max3A_648 : vector<16xi1>, vector<16xf32>
        %select_n3A_654 = arith.select %lt3A_652, %select_n3A_653, %scan3A_561 : vector<16xi1>, vector<16xf32>
        %select_n3A_655 = arith.select %lt3A_651, %scan3A_564, %mul3A_569 : vector<16xi1>, vector<16xi32>
        %select_n3A_656 = arith.select %lt3A_652, %select_n3A_655, %scan3A_565 : vector<16xi1>, vector<16xi32>
        %select_n3A_657 = arith.select %lt3A_650, %scan3A_559, %max3A_648 : vector<16xi1>, vector<16xf32>
        %select_n3A_658 = arith.select %lt3A_651, %select_n3A_657, %scan3A_560 : vector<16xi1>, vector<16xf32>
        %select_n3A_659 = arith.select %lt3A_650, %scan3A_563, %mul3A_569 : vector<16xi1>, vector<16xi32>
        %select_n3A_660 = arith.select %lt3A_651, %select_n3A_659, %scan3A_564 : vector<16xi1>, vector<16xi32>
        %select_n3A_661 = arith.select %lt3A_649, %scan3A_558, %max3A_648 : vector<16xi1>, vector<16xf32>
        %select_n3A_662 = arith.select %lt3A_650, %select_n3A_661, %scan3A_559 : vector<16xi1>, vector<16xf32>
        %select_n3A_663 = arith.select %lt3A_649, %scan3A_562, %mul3A_569 : vector<16xi1>, vector<16xi32>
        %select_n3A_664 = arith.select %lt3A_650, %select_n3A_663, %scan3A_563 : vector<16xi1>, vector<16xi32>
        %select_n3A_665 = arith.select %lt3A_649, %max3A_648, %scan3A_558 : vector<16xi1>, vector<16xf32>
        %select_n3A_666 = arith.select %lt3A_649, %mul3A_569, %scan3A_562 : vector<16xi1>, vector<16xi32>
        scf.yield %select_n3A_665, %select_n3A_662, %select_n3A_658, %select_n3A_654, %select_n3A_666, %select_n3A_664, %select_n3A_660, %select_n3A_656 : vector<16xf32>, vector<16xf32>, vector<16xf32>, vector<16xf32>, vector<16xi32>, vector<16xi32>, vector<16xi32>, vector<16xi32>
      }
      %scan3A_541 = arith.constant 256 : i32
      %swap3A = arith.constant 0 : index
      %swap3A_542 = tpu.vector_load %arg9[%swap3A] {strides = array<i32>} : memref<48xi32, #tpu.memory_space<vmem>>, vector<16xi32>,
      %swap3A_543 = vector.shape_cast %swap3A_542 : vector<16xi32> to vector<16xi32>
      %swap3A_544 = vector.shape_cast %scan3A_540#5 : vector<16xi32> to vector<16xi32>
      tpu.vector_store %arg9[%swap3A], %swap3A_544 {strides = array<i32>} : memref<48xi32, #tpu.memory_space<vmem>>, vector<16xi32>,
      %swap3A_545 = arith.constant 16 : index
      %swap3A_546 = tpu.vector_load %arg9[%swap3A_545] {strides = array<i32>} : memref<48xi32, #tpu.memory_space<vmem>>, vector<16xi32>,
      %swap3A_547 = vector.shape_cast %swap3A_546 : vector<16xi32> to vector<16xi32>
      %swap3A_548 = vector.shape_cast %scan3A_540#6 : vector<16xi32> to vector<16xi32>
      tpu.vector_store %arg9[%swap3A_545], %swap3A_548 {strides = array<i32>} : memref<48xi32, #tpu.memory_space<vmem>>, vector<16xi32>,
      %swap3A_549 = arith.constant 32 : index
      %swap3A_550 = tpu.vector_load %arg9[%swap3A_549] {strides = array<i32>} : memref<48xi32, #tpu.memory_space<vmem>>, vector<16xi32>,
      %swap3A_551 = vector.shape_cast %swap3A_550 : vector<16xi32> to vector<16xi32>
      %swap3A_552 = vector.shape_cast %scan3A_540#7 : vector<16xi32> to vector<16xi32>
      tpu.vector_store %arg9[%swap3A_549], %swap3A_552 {strides = array<i32>} : memref<48xi32, #tpu.memory_space<vmem>>, vector<16xi32>,
      "tpu.region"() ({
        %run_scoped3A = tpu.sem_alloc : memref<!tpu.dma_semaphore, #tpu.memory_space<semaphore_mem>>
        %dma_start3A = arith.constant 0 : i32
        %dma_start3A_557 = tpu.memref_slice %arg9[%dma_start3A] : memref<48xi32, #tpu.memory_space<vmem>> -> memref<16xi32, #tpu.memory_space<vmem>>
        %dma_start3A_558 = tpu.memref_slice %arg5[%mul3A_4] : memref<768xi32, #tpu.memory_space<hbm>> -> memref<16xi32, #tpu.memory_space<hbm>>
        %dma_start3A_559 = tpu.memref_slice %arg5[%mul3A_4] : memref<768xi32, #tpu.memory_space<hbm>> -> memref<16xi32, #tpu.memory_space<hbm>>
        %dma_start3A_560 = arith.constant 0 : i32
        %dma_start3A_561 = tpu.memref_slice %arg9[%dma_start3A_560] : memref<48xi32, #tpu.memory_space<vmem>> -> memref<16xi32, #tpu.memory_space<vmem>>
        tpu.enqueue_dma source(%dma_start3A_561 : memref<16xi32, #tpu.memory_space<vmem>>) target(%dma_start3A_559 : memref<16xi32, #tpu.memory_space<hbm>>) target_semaphore(%run_scoped3A : memref<!tpu.dma_semaphore, #tpu.memory_space<semaphore_mem>>)
        %dma_wait3A = arith.constant 0 : i32
        %dma_wait3A_562 = tpu.memref_slice %arg9[%dma_wait3A] : memref<48xi32, #tpu.memory_space<vmem>> -> memref<16xi32, #tpu.memory_space<vmem>>
        %dma_wait3A_563 = tpu.memref_slice %arg5[%mul3A_4] : memref<768xi32, #tpu.memory_space<hbm>> -> memref<16xi32, #tpu.memory_space<hbm>>
        %dma_wait3A_564 = tpu.memref_slice %arg5[%mul3A_4] : memref<768xi32, #tpu.memory_space<hbm>> -> memref<16xi32, #tpu.memory_space<hbm>>
        %dma_wait3A_565 = arith.constant 0 : i32
        %dma_wait3A_566 = tpu.memref_slice %arg9[%dma_wait3A_565] : memref<48xi32, #tpu.memory_space<vmem>> -> memref<16xi32, #tpu.memory_space<vmem>>
        tpu.wait_dma2 semaphore(%run_scoped3A : memref<!tpu.dma_semaphore, #tpu.memory_space<semaphore_mem>>) src(%dma_wait3A_566 : memref<16xi32, #tpu.memory_space<vmem>>) dst(%dma_wait3A_564 : memref<16xi32, #tpu.memory_space<hbm>>)
        tpu.yield
      }) : () -> ()
      %add3A_553 = arith.constant 256 : i32
      %add3A_554 = arith.addi %add3A_553, %mul3A_4 : i32
      "tpu.region"() ({
        %run_scoped3A = tpu.sem_alloc : memref<!tpu.dma_semaphore, #tpu.memory_space<semaphore_mem>>
        %dma_start3A = arith.constant 16 : i32
        %dma_start3A_557 = tpu.memref_slice %arg9[%dma_start3A] : memref<48xi32, #tpu.memory_space<vmem>> -> memref<16xi32, #tpu.memory_space<vmem>>
        %dma_start3A_558 = tpu.memref_slice %arg5[%add3A_554] : memref<768xi32, #tpu.memory_space<hbm>> -> memref<16xi32, #tpu.memory_space<hbm>>
        %dma_start3A_559 = tpu.memref_slice %arg5[%add3A_554] : memref<768xi32, #tpu.memory_space<hbm>> -> memref<16xi32, #tpu.memory_space<hbm>>
        %dma_start3A_560 = arith.constant 16 : i32
        %dma_start3A_561 = tpu.memref_slice %arg9[%dma_start3A_560] : memref<48xi32, #tpu.memory_space<vmem>> -> memref<16xi32, #tpu.memory_space<vmem>>
        tpu.enqueue_dma source(%dma_start3A_561 : memref<16xi32, #tpu.memory_space<vmem>>) target(%dma_start3A_559 : memref<16xi32, #tpu.memory_space<hbm>>) target_semaphore(%run_scoped3A : memref<!tpu.dma_semaphore, #tpu.memory_space<semaphore_mem>>)
        %dma_wait3A = arith.constant 16 : i32
        %dma_wait3A_562 = tpu.memref_slice %arg9[%dma_wait3A] : memref<48xi32, #tpu.memory_space<vmem>> -> memref<16xi32, #tpu.memory_space<vmem>>
        %dma_wait3A_563 = tpu.memref_slice %arg5[%add3A_554] : memref<768xi32, #tpu.memory_space<hbm>> -> memref<16xi32, #tpu.memory_space<hbm>>
        %dma_wait3A_564 = tpu.memref_slice %arg5[%add3A_554] : memref<768xi32, #tpu.memory_space<hbm>> -> memref<16xi32, #tpu.memory_space<hbm>>
        %dma_wait3A_565 = arith.constant 16 : i32
        %dma_wait3A_566 = tpu.memref_slice %arg9[%dma_wait3A_565] : memref<48xi32, #tpu.memory_space<vmem>> -> memref<16xi32, #tpu.memory_space<vmem>>
        tpu.wait_dma2 semaphore(%run_scoped3A : memref<!tpu.dma_semaphore, #tpu.memory_space<semaphore_mem>>) src(%dma_wait3A_566 : memref<16xi32, #tpu.memory_space<vmem>>) dst(%dma_wait3A_564 : memref<16xi32, #tpu.memory_space<hbm>>)
        tpu.yield
      }) : () -> ()
      %add3A_555 = arith.constant 512 : i32
      %add3A_556 = arith.addi %add3A_555, %mul3A_4 : i32
      "tpu.region"() ({
        %run_scoped3A = tpu.sem_alloc : memref<!tpu.dma_semaphore, #tpu.memory_space<semaphore_mem>>
        %dma_start3A = arith.constant 32 : i32
        %dma_start3A_557 = tpu.memref_slice %arg9[%dma_start3A] : memref<48xi32, #tpu.memory_space<vmem>> -> memref<16xi32, #tpu.memory_space<vmem>>
        %dma_start3A_558 = tpu.memref_slice %arg5[%add3A_556] : memref<768xi32, #tpu.memory_space<hbm>> -> memref<16xi32, #tpu.memory_space<hbm>>
        %dma_start3A_559 = tpu.memref_slice %arg5[%add3A_556] : memref<768xi32, #tpu.memory_space<hbm>> -> memref<16xi32, #tpu.memory_space<hbm>>
        %dma_start3A_560 = arith.constant 32 : i32
        %dma_start3A_561 = tpu.memref_slice %arg9[%dma_start3A_560] : memref<48xi32, #tpu.memory_space<vmem>> -> memref<16xi32, #tpu.memory_space<vmem>>
        tpu.enqueue_dma source(%dma_start3A_561 : memref<16xi32, #tpu.memory_space<vmem>>) target(%dma_start3A_559 : memref<16xi32, #tpu.memory_space<hbm>>) target_semaphore(%run_scoped3A : memref<!tpu.dma_semaphore, #tpu.memory_space<semaphore_mem>>)
        %dma_wait3A = arith.constant 32 : i32
        %dma_wait3A_562 = tpu.memref_slice %arg9[%dma_wait3A] : memref<48xi32, #tpu.memory_space<vmem>> -> memref<16xi32, #tpu.memory_space<vmem>>
        %dma_wait3A_563 = tpu.memref_slice %arg5[%add3A_556] : memref<768xi32, #tpu.memory_space<hbm>> -> memref<16xi32, #tpu.memory_space<hbm>>
        %dma_wait3A_564 = tpu.memref_slice %arg5[%add3A_556] : memref<768xi32, #tpu.memory_space<hbm>> -> memref<16xi32, #tpu.memory_space<hbm>>
        %dma_wait3A_565 = arith.constant 32 : i32
        %dma_wait3A_566 = tpu.memref_slice %arg9[%dma_wait3A_565] : memref<48xi32, #tpu.memory_space<vmem>> -> memref<16xi32, #tpu.memory_space<vmem>>
        tpu.wait_dma2 semaphore(%run_scoped3A : memref<!tpu.dma_semaphore, #tpu.memory_space<semaphore_mem>>) src(%dma_wait3A_566 : memref<16xi32, #tpu.memory_space<vmem>>) dst(%dma_wait3A_564 : memref<16xi32, #tpu.memory_space<hbm>>)
        tpu.yield
      }) : () -> ()
    } else {
    }
    return
  }
}

module attributes {stable_mosaic.version = 14 : i64} {
  func.func @_geom_kernel(%arg0: memref<256x3xf32, #tpu.memory_space<vmem>>, %arg1: memref<3x256xf32, #tpu.memory_space<vmem>>, %arg2: memref<256x3xi32, #tpu.memory_space<vmem>>, %arg3: memref<256x256xf32, #tpu.memory_space<vmem>>, %arg4: memref<1x256xf32, #tpu.memory_space<vmem>>, %arg5: memref<256x256xf32, #tpu.memory_space<vmem>>, %arg6: memref<256x256xi32, #tpu.memory_space<vmem>>, %arg7: memref<256x256xi32, #tpu.memory_space<vmem>>, %arg8: memref<256x256xi32, #tpu.memory_space<vmem>>, %arg9: memref<256x256xf32, #tpu.memory_space<vmem>>) attributes {dimension_semantics = [], scalar_prefetch = 0 : i64, scratch_operands = 0 : i64, tpu.core_type = #tpu.core_type<tc>} {
    %get3A = arith.constant 0 : index
    %get3A_0 = arith.constant 0 : index
    %get3A_1 = vector.load %arg0[%get3A, %get3A_0] : memref<256x3xf32, #tpu.memory_space<vmem>>, vector<256x1xf32>
    %get3A_2 = arith.constant 0 : index
    %get3A_3 = arith.constant 1 : index
    %get3A_4 = vector.load %arg0[%get3A_2, %get3A_3] : memref<256x3xf32, #tpu.memory_space<vmem>>, vector<256x1xf32>
    %get3A_5 = arith.constant 0 : index
    %get3A_6 = arith.constant 2 : index
    %get3A_7 = vector.load %arg0[%get3A_5, %get3A_6] : memref<256x3xf32, #tpu.memory_space<vmem>>, vector<256x1xf32>
    %get3A_8 = arith.constant 0 : index
    %get3A_9 = arith.constant 0 : index
    %get3A_10 = vector.load %arg1[%get3A_8, %get3A_9] : memref<3x256xf32, #tpu.memory_space<vmem>>, vector<1x256xf32>
    %get3A_11 = arith.constant 1 : index
    %get3A_12 = arith.constant 0 : index
    %get3A_13 = vector.load %arg1[%get3A_11, %get3A_12] : memref<3x256xf32, #tpu.memory_space<vmem>>, vector<1x256xf32>
    %get3A_14 = arith.constant 2 : index
    %get3A_15 = arith.constant 0 : index
    %get3A_16 = vector.load %arg1[%get3A_14, %get3A_15] : memref<3x256xf32, #tpu.memory_space<vmem>>, vector<1x256xf32>
    %sub3A = vector.broadcast %get3A_10 : vector<1x256xf32> to vector<256x256xf32>
    %sub3A_17 = vector.broadcast %get3A_1 : vector<256x1xf32> to vector<256x256xf32>
    %sub3A_18 = arith.subf %sub3A, %sub3A_17 : vector<256x256xf32>
    %sub3A_19 = vector.broadcast %get3A_13 : vector<1x256xf32> to vector<256x256xf32>
    %sub3A_20 = vector.broadcast %get3A_4 : vector<256x1xf32> to vector<256x256xf32>
    %sub3A_21 = arith.subf %sub3A_19, %sub3A_20 : vector<256x256xf32>
    %sub3A_22 = vector.broadcast %get3A_16 : vector<1x256xf32> to vector<256x256xf32>
    %sub3A_23 = vector.broadcast %get3A_7 : vector<256x1xf32> to vector<256x256xf32>
    %sub3A_24 = arith.subf %sub3A_22, %sub3A_23 : vector<256x256xf32>
    %convert_element_type3A = arith.truncf %get3A_1 : vector<256x1xf32> to vector<256x1xbf16>
    %convert_element_type3A_25 = arith.extf %convert_element_type3A : vector<256x1xbf16> to vector<256x1xf32>
    %convert_element_type3A_26 = arith.truncf %get3A_4 : vector<256x1xf32> to vector<256x1xbf16>
    %convert_element_type3A_27 = arith.extf %convert_element_type3A_26 : vector<256x1xbf16> to vector<256x1xf32>
    %convert_element_type3A_28 = arith.truncf %get3A_7 : vector<256x1xf32> to vector<256x1xbf16>
    %convert_element_type3A_29 = arith.extf %convert_element_type3A_28 : vector<256x1xbf16> to vector<256x1xf32>
    %convert_element_type3A_30 = arith.truncf %get3A_10 : vector<1x256xf32> to vector<1x256xbf16>
    %convert_element_type3A_31 = arith.extf %convert_element_type3A_30 : vector<1x256xbf16> to vector<1x256xf32>
    %convert_element_type3A_32 = arith.truncf %get3A_13 : vector<1x256xf32> to vector<1x256xbf16>
    %convert_element_type3A_33 = arith.extf %convert_element_type3A_32 : vector<1x256xbf16> to vector<1x256xf32>
    %convert_element_type3A_34 = arith.truncf %get3A_16 : vector<1x256xf32> to vector<1x256xbf16>
    %convert_element_type3A_35 = arith.extf %convert_element_type3A_34 : vector<1x256xbf16> to vector<1x256xf32>
    %mul3A = vector.broadcast %convert_element_type3A_25 : vector<256x1xf32> to vector<256x256xf32>
    %mul3A_36 = vector.broadcast %convert_element_type3A_31 : vector<1x256xf32> to vector<256x256xf32>
    %mul3A_37 = arith.mulf %mul3A, %mul3A_36 : vector<256x256xf32>
    %mul3A_38 = vector.broadcast %convert_element_type3A_27 : vector<256x1xf32> to vector<256x256xf32>
    %mul3A_39 = vector.broadcast %convert_element_type3A_33 : vector<1x256xf32> to vector<256x256xf32>
    %mul3A_40 = arith.mulf %mul3A_38, %mul3A_39 : vector<256x256xf32>
    %add3A = arith.addf %mul3A_37, %mul3A_40 : vector<256x256xf32>
    %mul3A_41 = vector.broadcast %convert_element_type3A_29 : vector<256x1xf32> to vector<256x256xf32>
    %mul3A_42 = vector.broadcast %convert_element_type3A_35 : vector<1x256xf32> to vector<256x256xf32>
    %mul3A_43 = arith.mulf %mul3A_41, %mul3A_42 : vector<256x256xf32>
    %add3A_44 = arith.addf %add3A, %mul3A_43 : vector<256x256xf32>
    %mul3A_45 = arith.mulf %get3A_1, %get3A_1 : vector<256x1xf32>
    %mul3A_46 = arith.mulf %get3A_4, %get3A_4 : vector<256x1xf32>
    %add3A_47 = arith.addf %mul3A_45, %mul3A_46 : vector<256x1xf32>
    %mul3A_48 = arith.mulf %get3A_7, %get3A_7 : vector<256x1xf32>
    %add3A_49 = arith.addf %add3A_47, %mul3A_48 : vector<256x1xf32>
    %mul3A_50 = arith.mulf %get3A_10, %get3A_10 : vector<1x256xf32>
    %mul3A_51 = arith.mulf %get3A_13, %get3A_13 : vector<1x256xf32>
    %add3A_52 = arith.addf %mul3A_50, %mul3A_51 : vector<1x256xf32>
    %mul3A_53 = arith.mulf %get3A_16, %get3A_16 : vector<1x256xf32>
    %add3A_54 = arith.addf %add3A_52, %mul3A_53 : vector<1x256xf32>
    %add3A_55 = vector.broadcast %add3A_49 : vector<256x1xf32> to vector<256x256xf32>
    %add3A_56 = vector.broadcast %add3A_54 : vector<1x256xf32> to vector<256x256xf32>
    %add3A_57 = arith.addf %add3A_55, %add3A_56 : vector<256x256xf32>
    %mul3A_58 = arith.constant 2.000000e+00 : f32
    %mul3A_59 = vector.broadcast %mul3A_58 : f32 to vector<256x256xf32>
    %mul3A_60 = arith.mulf %mul3A_59, %add3A_44 : vector<256x256xf32>
    %sub3A_61 = arith.subf %add3A_57, %mul3A_60 : vector<256x256xf32>
    %max3A = arith.constant 0.000000e+00 : f32
    %max3A_62 = vector.broadcast %max3A : f32 to vector<256x256xf32>
    %max3A_63 = arith.maximumf %sub3A_61, %max3A_62 : vector<256x256xf32>
    %sqrt3A = math.sqrt %max3A_63 : vector<256x256xf32>
    %div3A = arith.constant 2.000000e-01 : f32
    %div3A_64 = vector.broadcast %div3A : f32 to vector<256x256xf32>
    %div3A_65 = arith.divf %sqrt3A, %div3A_64 : vector<256x256xf32>
    %swap3A = arith.constant 0 : index
    %swap3A_66 = arith.constant 0 : index
    %swap3A_67 = vector.load %arg5[%swap3A, %swap3A_66] : memref<256x256xf32, #tpu.memory_space<vmem>>, vector<256x256xf32>
    tpu.vector_store %arg5[%swap3A, %swap3A_66], %div3A_65 {strides = array<i32>} : memref<256x256xf32, #tpu.memory_space<vmem>>, vector<256x256xf32>,
    %iota3A = tpu.iota {dimensions = array<i32: 1>} : vector<256x256xi32>
    %iota3A_68 = tpu.iota {dimensions = array<i32: 0>} : vector<256x256xi32>
    %eq3A = arith.cmpi eq, %iota3A, %iota3A_68 : vector<256x256xi32>
    %get3A_69 = arith.constant 0 : index
    %get3A_70 = arith.constant 0 : index
    %get3A_71 = vector.load %arg2[%get3A_69, %get3A_70] : memref<256x3xi32, #tpu.memory_space<vmem>>, vector<256x1xi32>
    %eq3A_72 = vector.broadcast %get3A_71 : vector<256x1xi32> to vector<256x256xi32>
    %eq3A_73 = arith.cmpi eq, %iota3A, %eq3A_72 : vector<256x256xi32>
    %jit3A = arith.constant 0.000000e+00 : f32
    %broadcast_in_dim3A = vector.shape_cast %get3A_10 : vector<1x256xf32> to vector<1x256xf32>
    %broadcast_in_dim3A_74 = vector.broadcast %broadcast_in_dim3A : vector<1x256xf32> to vector<256x256xf32>
    %broadcast_in_dim3A_75 = vector.broadcast %jit3A : f32 to vector<256x256xf32>
    %select_n3A = arith.select %eq3A_73, %broadcast_in_dim3A_74, %broadcast_in_dim3A_75 : vector<256x256xi1>, vector<256x256xf32>
    %reduce_sum3A = arith.constant dense<0.000000e+00> : vector<256xf32>
    %reduce_sum3A_76 = vector.multi_reduction <add>, %select_n3A, %reduce_sum3A [1] : vector<256x256xf32> to vector<256xf32>
    %broadcast_in_dim3A_77 = vector.shape_cast %reduce_sum3A_76 : vector<256xf32> to vector<256x1xf32>
    %jit3A_78 = arith.constant 0.000000e+00 : f32
    %broadcast_in_dim3A_79 = vector.shape_cast %get3A_13 : vector<1x256xf32> to vector<1x256xf32>
    %broadcast_in_dim3A_80 = vector.broadcast %broadcast_in_dim3A_79 : vector<1x256xf32> to vector<256x256xf32>
    %broadcast_in_dim3A_81 = vector.broadcast %jit3A_78 : f32 to vector<256x256xf32>
    %select_n3A_82 = arith.select %eq3A_73, %broadcast_in_dim3A_80, %broadcast_in_dim3A_81 : vector<256x256xi1>, vector<256x256xf32>
    %reduce_sum3A_83 = arith.constant dense<0.000000e+00> : vector<256xf32>
    %reduce_sum3A_84 = vector.multi_reduction <add>, %select_n3A_82, %reduce_sum3A_83 [1] : vector<256x256xf32> to vector<256xf32>
    %broadcast_in_dim3A_85 = vector.shape_cast %reduce_sum3A_84 : vector<256xf32> to vector<256x1xf32>
    %jit3A_86 = arith.constant 0.000000e+00 : f32
    %broadcast_in_dim3A_87 = vector.shape_cast %get3A_16 : vector<1x256xf32> to vector<1x256xf32>
    %broadcast_in_dim3A_88 = vector.broadcast %broadcast_in_dim3A_87 : vector<1x256xf32> to vector<256x256xf32>
    %broadcast_in_dim3A_89 = vector.broadcast %jit3A_86 : f32 to vector<256x256xf32>
    %select_n3A_90 = arith.select %eq3A_73, %broadcast_in_dim3A_88, %broadcast_in_dim3A_89 : vector<256x256xi1>, vector<256x256xf32>
    %reduce_sum3A_91 = arith.constant dense<0.000000e+00> : vector<256xf32>
    %reduce_sum3A_92 = vector.multi_reduction <add>, %select_n3A_90, %reduce_sum3A_91 [1] : vector<256x256xf32> to vector<256xf32>
    %broadcast_in_dim3A_93 = vector.shape_cast %reduce_sum3A_92 : vector<256xf32> to vector<256x1xf32>
    %sub3A_94 = arith.subf %broadcast_in_dim3A_77, %get3A_1 : vector<256x1xf32>
    %sub3A_95 = arith.subf %broadcast_in_dim3A_85, %get3A_4 : vector<256x1xf32>
    %sub3A_96 = arith.subf %broadcast_in_dim3A_93, %get3A_7 : vector<256x1xf32>
    %mul3A_97 = vector.broadcast %sub3A_95 : vector<256x1xf32> to vector<256x256xf32>
    %mul3A_98 = arith.mulf %mul3A_97, %sub3A_24 : vector<256x256xf32>
    %mul3A_99 = vector.broadcast %sub3A_96 : vector<256x1xf32> to vector<256x256xf32>
    %mul3A_100 = arith.mulf %mul3A_99, %sub3A_21 : vector<256x256xf32>
    %sub3A_101 = arith.subf %mul3A_98, %mul3A_100 : vector<256x256xf32>
    %mul3A_102 = vector.broadcast %sub3A_96 : vector<256x1xf32> to vector<256x256xf32>
    %mul3A_103 = arith.mulf %mul3A_102, %sub3A_18 : vector<256x256xf32>
    %mul3A_104 = vector.broadcast %sub3A_94 : vector<256x1xf32> to vector<256x256xf32>
    %mul3A_105 = arith.mulf %mul3A_104, %sub3A_24 : vector<256x256xf32>
    %sub3A_106 = arith.subf %mul3A_103, %mul3A_105 : vector<256x256xf32>
    %mul3A_107 = vector.broadcast %sub3A_94 : vector<256x1xf32> to vector<256x256xf32>
    %mul3A_108 = arith.mulf %mul3A_107, %sub3A_21 : vector<256x256xf32>
    %mul3A_109 = vector.broadcast %sub3A_95 : vector<256x1xf32> to vector<256x256xf32>
    %mul3A_110 = arith.mulf %mul3A_109, %sub3A_18 : vector<256x256xf32>
    %sub3A_111 = arith.subf %mul3A_108, %mul3A_110 : vector<256x256xf32>
    %mul3A_112 = arith.mulf %sub3A_101, %sub3A_101 : vector<256x256xf32>
    %mul3A_113 = arith.mulf %sub3A_106, %sub3A_106 : vector<256x256xf32>
    %add3A_114 = arith.addf %mul3A_112, %mul3A_113 : vector<256x256xf32>
    %mul3A_115 = arith.mulf %sub3A_111, %sub3A_111 : vector<256x256xf32>
    %add3A_116 = arith.addf %add3A_114, %mul3A_115 : vector<256x256xf32>
    %sqrt3A_117 = math.sqrt %add3A_116 : vector<256x256xf32>
    %mul3A_118 = vector.broadcast %sub3A_94 : vector<256x1xf32> to vector<256x256xf32>
    %mul3A_119 = arith.mulf %mul3A_118, %sub3A_18 : vector<256x256xf32>
    %mul3A_120 = vector.broadcast %sub3A_95 : vector<256x1xf32> to vector<256x256xf32>
    %mul3A_121 = arith.mulf %mul3A_120, %sub3A_21 : vector<256x256xf32>
    %add3A_122 = arith.addf %mul3A_119, %mul3A_121 : vector<256x256xf32>
    %mul3A_123 = vector.broadcast %sub3A_96 : vector<256x1xf32> to vector<256x256xf32>
    %mul3A_124 = arith.mulf %mul3A_123, %sub3A_24 : vector<256x256xf32>
    %add3A_125 = arith.addf %add3A_122, %mul3A_124 : vector<256x256xf32>
    %atan23A = math.atan2 %sqrt3A_117, %add3A_125 : vector<256x256xf32>
    %mul3A_126 = arith.constant 57.2957802 : f32
    %mul3A_127 = vector.broadcast %mul3A_126 : f32 to vector<256x256xf32>
    %mul3A_128 = arith.mulf %atan23A, %mul3A_127 : vector<256x256xf32>
    %round3A = math.roundeven %mul3A_128 : vector<256x256xf32>
    %convert_element_type3A_129 = arith.fptosi %round3A : vector<256x256xf32> to vector<256x256xi32>
    %lt3A = arith.constant 0.000000e+00 : f32
    %lt3A_130 = vector.broadcast %lt3A : f32 to vector<256x1xf32>
    %lt3A_131 = arith.cmpf olt, %sub3A_94, %lt3A_130 : vector<256x1xf32>
    %lt3A_132 = arith.constant 0.000000e+00 : f32
    %lt3A_133 = vector.broadcast %lt3A_132 : f32 to vector<256x1xf32>
    %lt3A_134 = arith.cmpf olt, %sub3A_95, %lt3A_133 : vector<256x1xf32>
    %and3A = arith.andi %lt3A_131, %lt3A_134 : vector<256x1xi1>
    %lt3A_135 = arith.constant 0.000000e+00 : f32
    %lt3A_136 = vector.broadcast %lt3A_135 : f32 to vector<256x1xf32>
    %lt3A_137 = arith.cmpf olt, %sub3A_96, %lt3A_136 : vector<256x1xf32>
    %and3A_138 = arith.andi %and3A, %lt3A_137 : vector<256x1xi1>
    %jit3A_139 = arith.constant 180 : i32
    %jit3A_140 = arith.constant 0 : i32
    %broadcast_in_dim3A_141 = vector.broadcast %jit3A_139 : i32 to vector<256x1xi32>
    %broadcast_in_dim3A_142 = vector.broadcast %jit3A_140 : i32 to vector<256x1xi32>
    %select_n3A_143 = arith.select %and3A_138, %broadcast_in_dim3A_141, %broadcast_in_dim3A_142 : vector<256x1xi1>, vector<256x1xi32>
    %broadcast_in_dim3A_144 = vector.shape_cast %select_n3A_143 : vector<256x1xi32> to vector<256x1xi32>
    %broadcast_in_dim3A_145 = vector.broadcast %broadcast_in_dim3A_144 : vector<256x1xi32> to vector<256x256xi32>
    %select_n3A_146 = arith.select %eq3A, %broadcast_in_dim3A_145, %convert_element_type3A_129 : vector<256x256xi1>, vector<256x256xi32>
    %swap3A_147 = arith.constant 0 : index
    %swap3A_148 = arith.constant 0 : index
    %swap3A_149 = vector.load %arg6[%swap3A_147, %swap3A_148] : memref<256x256xi32, #tpu.memory_space<vmem>>, vector<256x256xi32>
    tpu.vector_store %arg6[%swap3A_147, %swap3A_148], %select_n3A_146 {strides = array<i32>} : memref<256x256xi32, #tpu.memory_space<vmem>>, vector<256x256xi32>,
    %get3A_150 = arith.constant 0 : index
    %get3A_151 = arith.constant 1 : index
    %get3A_152 = vector.load %arg2[%get3A_150, %get3A_151] : memref<256x3xi32, #tpu.memory_space<vmem>>, vector<256x1xi32>
    %eq3A_153 = vector.broadcast %get3A_152 : vector<256x1xi32> to vector<256x256xi32>
    %eq3A_154 = arith.cmpi eq, %iota3A, %eq3A_153 : vector<256x256xi32>
    %jit3A_155 = arith.constant 0.000000e+00 : f32
    %broadcast_in_dim3A_156 = vector.shape_cast %get3A_10 : vector<1x256xf32> to vector<1x256xf32>
    %broadcast_in_dim3A_157 = vector.broadcast %broadcast_in_dim3A_156 : vector<1x256xf32> to vector<256x256xf32>
    %broadcast_in_dim3A_158 = vector.broadcast %jit3A_155 : f32 to vector<256x256xf32>
    %select_n3A_159 = arith.select %eq3A_154, %broadcast_in_dim3A_157, %broadcast_in_dim3A_158 : vector<256x256xi1>, vector<256x256xf32>
    %reduce_sum3A_160 = arith.constant dense<0.000000e+00> : vector<256xf32>
    %reduce_sum3A_161 = vector.multi_reduction <add>, %select_n3A_159, %reduce_sum3A_160 [1] : vector<256x256xf32> to vector<256xf32>
    %broadcast_in_dim3A_162 = vector.shape_cast %reduce_sum3A_161 : vector<256xf32> to vector<256x1xf32>
    %jit3A_163 = arith.constant 0.000000e+00 : f32
    %broadcast_in_dim3A_164 = vector.shape_cast %get3A_13 : vector<1x256xf32> to vector<1x256xf32>
    %broadcast_in_dim3A_165 = vector.broadcast %broadcast_in_dim3A_164 : vector<1x256xf32> to vector<256x256xf32>
    %broadcast_in_dim3A_166 = vector.broadcast %jit3A_163 : f32 to vector<256x256xf32>
    %select_n3A_167 = arith.select %eq3A_154, %broadcast_in_dim3A_165, %broadcast_in_dim3A_166 : vector<256x256xi1>, vector<256x256xf32>
    %reduce_sum3A_168 = arith.constant dense<0.000000e+00> : vector<256xf32>
    %reduce_sum3A_169 = vector.multi_reduction <add>, %select_n3A_167, %reduce_sum3A_168 [1] : vector<256x256xf32> to vector<256xf32>
    %broadcast_in_dim3A_170 = vector.shape_cast %reduce_sum3A_169 : vector<256xf32> to vector<256x1xf32>
    %jit3A_171 = arith.constant 0.000000e+00 : f32
    %broadcast_in_dim3A_172 = vector.shape_cast %get3A_16 : vector<1x256xf32> to vector<1x256xf32>
    %broadcast_in_dim3A_173 = vector.broadcast %broadcast_in_dim3A_172 : vector<1x256xf32> to vector<256x256xf32>
    %broadcast_in_dim3A_174 = vector.broadcast %jit3A_171 : f32 to vector<256x256xf32>
    %select_n3A_175 = arith.select %eq3A_154, %broadcast_in_dim3A_173, %broadcast_in_dim3A_174 : vector<256x256xi1>, vector<256x256xf32>
    %reduce_sum3A_176 = arith.constant dense<0.000000e+00> : vector<256xf32>
    %reduce_sum3A_177 = vector.multi_reduction <add>, %select_n3A_175, %reduce_sum3A_176 [1] : vector<256x256xf32> to vector<256xf32>
    %broadcast_in_dim3A_178 = vector.shape_cast %reduce_sum3A_177 : vector<256xf32> to vector<256x1xf32>
    %sub3A_179 = arith.subf %broadcast_in_dim3A_162, %get3A_1 : vector<256x1xf32>
    %sub3A_180 = arith.subf %broadcast_in_dim3A_170, %get3A_4 : vector<256x1xf32>
    %sub3A_181 = arith.subf %broadcast_in_dim3A_178, %get3A_7 : vector<256x1xf32>
    %mul3A_182 = vector.broadcast %sub3A_180 : vector<256x1xf32> to vector<256x256xf32>
    %mul3A_183 = arith.mulf %mul3A_182, %sub3A_24 : vector<256x256xf32>
    %mul3A_184 = vector.broadcast %sub3A_181 : vector<256x1xf32> to vector<256x256xf32>
    %mul3A_185 = arith.mulf %mul3A_184, %sub3A_21 : vector<256x256xf32>
    %sub3A_186 = arith.subf %mul3A_183, %mul3A_185 : vector<256x256xf32>
    %mul3A_187 = vector.broadcast %sub3A_181 : vector<256x1xf32> to vector<256x256xf32>
    %mul3A_188 = arith.mulf %mul3A_187, %sub3A_18 : vector<256x256xf32>
    %mul3A_189 = vector.broadcast %sub3A_179 : vector<256x1xf32> to vector<256x256xf32>
    %mul3A_190 = arith.mulf %mul3A_189, %sub3A_24 : vector<256x256xf32>
    %sub3A_191 = arith.subf %mul3A_188, %mul3A_190 : vector<256x256xf32>
    %mul3A_192 = vector.broadcast %sub3A_179 : vector<256x1xf32> to vector<256x256xf32>
    %mul3A_193 = arith.mulf %mul3A_192, %sub3A_21 : vector<256x256xf32>
    %mul3A_194 = vector.broadcast %sub3A_180 : vector<256x1xf32> to vector<256x256xf32>
    %mul3A_195 = arith.mulf %mul3A_194, %sub3A_18 : vector<256x256xf32>
    %sub3A_196 = arith.subf %mul3A_193, %mul3A_195 : vector<256x256xf32>
    %mul3A_197 = arith.mulf %sub3A_186, %sub3A_186 : vector<256x256xf32>
    %mul3A_198 = arith.mulf %sub3A_191, %sub3A_191 : vector<256x256xf32>
    %add3A_199 = arith.addf %mul3A_197, %mul3A_198 : vector<256x256xf32>
    %mul3A_200 = arith.mulf %sub3A_196, %sub3A_196 : vector<256x256xf32>
    %add3A_201 = arith.addf %add3A_199, %mul3A_200 : vector<256x256xf32>
    %sqrt3A_202 = math.sqrt %add3A_201 : vector<256x256xf32>
    %mul3A_203 = vector.broadcast %sub3A_179 : vector<256x1xf32> to vector<256x256xf32>
    %mul3A_204 = arith.mulf %mul3A_203, %sub3A_18 : vector<256x256xf32>
    %mul3A_205 = vector.broadcast %sub3A_180 : vector<256x1xf32> to vector<256x256xf32>
    %mul3A_206 = arith.mulf %mul3A_205, %sub3A_21 : vector<256x256xf32>
    %add3A_207 = arith.addf %mul3A_204, %mul3A_206 : vector<256x256xf32>
    %mul3A_208 = vector.broadcast %sub3A_181 : vector<256x1xf32> to vector<256x256xf32>
    %mul3A_209 = arith.mulf %mul3A_208, %sub3A_24 : vector<256x256xf32>
    %add3A_210 = arith.addf %add3A_207, %mul3A_209 : vector<256x256xf32>
    %atan23A_211 = math.atan2 %sqrt3A_202, %add3A_210 : vector<256x256xf32>
    %mul3A_212 = arith.constant 57.2957802 : f32
    %mul3A_213 = vector.broadcast %mul3A_212 : f32 to vector<256x256xf32>
    %mul3A_214 = arith.mulf %atan23A_211, %mul3A_213 : vector<256x256xf32>
    %round3A_215 = math.roundeven %mul3A_214 : vector<256x256xf32>
    %convert_element_type3A_216 = arith.fptosi %round3A_215 : vector<256x256xf32> to vector<256x256xi32>
    %lt3A_217 = arith.constant 0.000000e+00 : f32
    %lt3A_218 = vector.broadcast %lt3A_217 : f32 to vector<256x1xf32>
    %lt3A_219 = arith.cmpf olt, %sub3A_179, %lt3A_218 : vector<256x1xf32>
    %lt3A_220 = arith.constant 0.000000e+00 : f32
    %lt3A_221 = vector.broadcast %lt3A_220 : f32 to vector<256x1xf32>
    %lt3A_222 = arith.cmpf olt, %sub3A_180, %lt3A_221 : vector<256x1xf32>
    %and3A_223 = arith.andi %lt3A_219, %lt3A_222 : vector<256x1xi1>
    %lt3A_224 = arith.constant 0.000000e+00 : f32
    %lt3A_225 = vector.broadcast %lt3A_224 : f32 to vector<256x1xf32>
    %lt3A_226 = arith.cmpf olt, %sub3A_181, %lt3A_225 : vector<256x1xf32>
    %and3A_227 = arith.andi %and3A_223, %lt3A_226 : vector<256x1xi1>
    %jit3A_228 = arith.constant 180 : i32
    %jit3A_229 = arith.constant 0 : i32
    %broadcast_in_dim3A_230 = vector.broadcast %jit3A_228 : i32 to vector<256x1xi32>
    %broadcast_in_dim3A_231 = vector.broadcast %jit3A_229 : i32 to vector<256x1xi32>
    %select_n3A_232 = arith.select %and3A_227, %broadcast_in_dim3A_230, %broadcast_in_dim3A_231 : vector<256x1xi1>, vector<256x1xi32>
    %broadcast_in_dim3A_233 = vector.shape_cast %select_n3A_232 : vector<256x1xi32> to vector<256x1xi32>
    %broadcast_in_dim3A_234 = vector.broadcast %broadcast_in_dim3A_233 : vector<256x1xi32> to vector<256x256xi32>
    %select_n3A_235 = arith.select %eq3A, %broadcast_in_dim3A_234, %convert_element_type3A_216 : vector<256x256xi1>, vector<256x256xi32>
    %swap3A_236 = arith.constant 0 : index
    %swap3A_237 = arith.constant 0 : index
    %swap3A_238 = vector.load %arg7[%swap3A_236, %swap3A_237] : memref<256x256xi32, #tpu.memory_space<vmem>>, vector<256x256xi32>
    tpu.vector_store %arg7[%swap3A_236, %swap3A_237], %select_n3A_235 {strides = array<i32>} : memref<256x256xi32, #tpu.memory_space<vmem>>, vector<256x256xi32>,
    %get3A_239 = arith.constant 0 : index
    %get3A_240 = arith.constant 2 : index
    %get3A_241 = vector.load %arg2[%get3A_239, %get3A_240] : memref<256x3xi32, #tpu.memory_space<vmem>>, vector<256x1xi32>
    %eq3A_242 = vector.broadcast %get3A_241 : vector<256x1xi32> to vector<256x256xi32>
    %eq3A_243 = arith.cmpi eq, %iota3A, %eq3A_242 : vector<256x256xi32>
    %jit3A_244 = arith.constant 0.000000e+00 : f32
    %broadcast_in_dim3A_245 = vector.shape_cast %get3A_10 : vector<1x256xf32> to vector<1x256xf32>
    %broadcast_in_dim3A_246 = vector.broadcast %broadcast_in_dim3A_245 : vector<1x256xf32> to vector<256x256xf32>
    %broadcast_in_dim3A_247 = vector.broadcast %jit3A_244 : f32 to vector<256x256xf32>
    %select_n3A_248 = arith.select %eq3A_243, %broadcast_in_dim3A_246, %broadcast_in_dim3A_247 : vector<256x256xi1>, vector<256x256xf32>
    %reduce_sum3A_249 = arith.constant dense<0.000000e+00> : vector<256xf32>
    %reduce_sum3A_250 = vector.multi_reduction <add>, %select_n3A_248, %reduce_sum3A_249 [1] : vector<256x256xf32> to vector<256xf32>
    %broadcast_in_dim3A_251 = vector.shape_cast %reduce_sum3A_250 : vector<256xf32> to vector<256x1xf32>
    %jit3A_252 = arith.constant 0.000000e+00 : f32
    %broadcast_in_dim3A_253 = vector.shape_cast %get3A_13 : vector<1x256xf32> to vector<1x256xf32>
    %broadcast_in_dim3A_254 = vector.broadcast %broadcast_in_dim3A_253 : vector<1x256xf32> to vector<256x256xf32>
    %broadcast_in_dim3A_255 = vector.broadcast %jit3A_252 : f32 to vector<256x256xf32>
    %select_n3A_256 = arith.select %eq3A_243, %broadcast_in_dim3A_254, %broadcast_in_dim3A_255 : vector<256x256xi1>, vector<256x256xf32>
    %reduce_sum3A_257 = arith.constant dense<0.000000e+00> : vector<256xf32>
    %reduce_sum3A_258 = vector.multi_reduction <add>, %select_n3A_256, %reduce_sum3A_257 [1] : vector<256x256xf32> to vector<256xf32>
    %broadcast_in_dim3A_259 = vector.shape_cast %reduce_sum3A_258 : vector<256xf32> to vector<256x1xf32>
    %jit3A_260 = arith.constant 0.000000e+00 : f32
    %broadcast_in_dim3A_261 = vector.shape_cast %get3A_16 : vector<1x256xf32> to vector<1x256xf32>
    %broadcast_in_dim3A_262 = vector.broadcast %broadcast_in_dim3A_261 : vector<1x256xf32> to vector<256x256xf32>
    %broadcast_in_dim3A_263 = vector.broadcast %jit3A_260 : f32 to vector<256x256xf32>
    %select_n3A_264 = arith.select %eq3A_243, %broadcast_in_dim3A_262, %broadcast_in_dim3A_263 : vector<256x256xi1>, vector<256x256xf32>
    %reduce_sum3A_265 = arith.constant dense<0.000000e+00> : vector<256xf32>
    %reduce_sum3A_266 = vector.multi_reduction <add>, %select_n3A_264, %reduce_sum3A_265 [1] : vector<256x256xf32> to vector<256xf32>
    %broadcast_in_dim3A_267 = vector.shape_cast %reduce_sum3A_266 : vector<256xf32> to vector<256x1xf32>
    %sub3A_268 = arith.subf %broadcast_in_dim3A_251, %get3A_1 : vector<256x1xf32>
    %sub3A_269 = arith.subf %broadcast_in_dim3A_259, %get3A_4 : vector<256x1xf32>
    %sub3A_270 = arith.subf %broadcast_in_dim3A_267, %get3A_7 : vector<256x1xf32>
    %mul3A_271 = vector.broadcast %sub3A_269 : vector<256x1xf32> to vector<256x256xf32>
    %mul3A_272 = arith.mulf %mul3A_271, %sub3A_24 : vector<256x256xf32>
    %mul3A_273 = vector.broadcast %sub3A_270 : vector<256x1xf32> to vector<256x256xf32>
    %mul3A_274 = arith.mulf %mul3A_273, %sub3A_21 : vector<256x256xf32>
    %sub3A_275 = arith.subf %mul3A_272, %mul3A_274 : vector<256x256xf32>
    %mul3A_276 = vector.broadcast %sub3A_270 : vector<256x1xf32> to vector<256x256xf32>
    %mul3A_277 = arith.mulf %mul3A_276, %sub3A_18 : vector<256x256xf32>
    %mul3A_278 = vector.broadcast %sub3A_268 : vector<256x1xf32> to vector<256x256xf32>
    %mul3A_279 = arith.mulf %mul3A_278, %sub3A_24 : vector<256x256xf32>
    %sub3A_280 = arith.subf %mul3A_277, %mul3A_279 : vector<256x256xf32>
    %mul3A_281 = vector.broadcast %sub3A_268 : vector<256x1xf32> to vector<256x256xf32>
    %mul3A_282 = arith.mulf %mul3A_281, %sub3A_21 : vector<256x256xf32>
    %mul3A_283 = vector.broadcast %sub3A_269 : vector<256x1xf32> to vector<256x256xf32>
    %mul3A_284 = arith.mulf %mul3A_283, %sub3A_18 : vector<256x256xf32>
    %sub3A_285 = arith.subf %mul3A_282, %mul3A_284 : vector<256x256xf32>
    %mul3A_286 = arith.mulf %sub3A_275, %sub3A_275 : vector<256x256xf32>
    %mul3A_287 = arith.mulf %sub3A_280, %sub3A_280 : vector<256x256xf32>
    %add3A_288 = arith.addf %mul3A_286, %mul3A_287 : vector<256x256xf32>
    %mul3A_289 = arith.mulf %sub3A_285, %sub3A_285 : vector<256x256xf32>
    %add3A_290 = arith.addf %add3A_288, %mul3A_289 : vector<256x256xf32>
    %sqrt3A_291 = math.sqrt %add3A_290 : vector<256x256xf32>
    %mul3A_292 = vector.broadcast %sub3A_268 : vector<256x1xf32> to vector<256x256xf32>
    %mul3A_293 = arith.mulf %mul3A_292, %sub3A_18 : vector<256x256xf32>
    %mul3A_294 = vector.broadcast %sub3A_269 : vector<256x1xf32> to vector<256x256xf32>
    %mul3A_295 = arith.mulf %mul3A_294, %sub3A_21 : vector<256x256xf32>
    %add3A_296 = arith.addf %mul3A_293, %mul3A_295 : vector<256x256xf32>
    %mul3A_297 = vector.broadcast %sub3A_270 : vector<256x1xf32> to vector<256x256xf32>
    %mul3A_298 = arith.mulf %mul3A_297, %sub3A_24 : vector<256x256xf32>
    %add3A_299 = arith.addf %add3A_296, %mul3A_298 : vector<256x256xf32>
    %atan23A_300 = math.atan2 %sqrt3A_291, %add3A_299 : vector<256x256xf32>
    %mul3A_301 = arith.constant 57.2957802 : f32
    %mul3A_302 = vector.broadcast %mul3A_301 : f32 to vector<256x256xf32>
    %mul3A_303 = arith.mulf %atan23A_300, %mul3A_302 : vector<256x256xf32>
    %round3A_304 = math.roundeven %mul3A_303 : vector<256x256xf32>
    %convert_element_type3A_305 = arith.fptosi %round3A_304 : vector<256x256xf32> to vector<256x256xi32>
    %lt3A_306 = arith.constant 0.000000e+00 : f32
    %lt3A_307 = vector.broadcast %lt3A_306 : f32 to vector<256x1xf32>
    %lt3A_308 = arith.cmpf olt, %sub3A_268, %lt3A_307 : vector<256x1xf32>
    %lt3A_309 = arith.constant 0.000000e+00 : f32
    %lt3A_310 = vector.broadcast %lt3A_309 : f32 to vector<256x1xf32>
    %lt3A_311 = arith.cmpf olt, %sub3A_269, %lt3A_310 : vector<256x1xf32>
    %and3A_312 = arith.andi %lt3A_308, %lt3A_311 : vector<256x1xi1>
    %lt3A_313 = arith.constant 0.000000e+00 : f32
    %lt3A_314 = vector.broadcast %lt3A_313 : f32 to vector<256x1xf32>
    %lt3A_315 = arith.cmpf olt, %sub3A_270, %lt3A_314 : vector<256x1xf32>
    %and3A_316 = arith.andi %and3A_312, %lt3A_315 : vector<256x1xi1>
    %jit3A_317 = arith.constant 180 : i32
    %jit3A_318 = arith.constant 0 : i32
    %broadcast_in_dim3A_319 = vector.broadcast %jit3A_317 : i32 to vector<256x1xi32>
    %broadcast_in_dim3A_320 = vector.broadcast %jit3A_318 : i32 to vector<256x1xi32>
    %select_n3A_321 = arith.select %and3A_316, %broadcast_in_dim3A_319, %broadcast_in_dim3A_320 : vector<256x1xi1>, vector<256x1xi32>
    %broadcast_in_dim3A_322 = vector.shape_cast %select_n3A_321 : vector<256x1xi32> to vector<256x1xi32>
    %broadcast_in_dim3A_323 = vector.broadcast %broadcast_in_dim3A_322 : vector<256x1xi32> to vector<256x256xi32>
    %select_n3A_324 = arith.select %eq3A, %broadcast_in_dim3A_323, %convert_element_type3A_305 : vector<256x256xi1>, vector<256x256xi32>
    %swap3A_325 = arith.constant 0 : index
    %swap3A_326 = arith.constant 0 : index
    %swap3A_327 = vector.load %arg8[%swap3A_325, %swap3A_326] : memref<256x256xi32, #tpu.memory_space<vmem>>, vector<256x256xi32>
    tpu.vector_store %arg8[%swap3A_325, %swap3A_326], %select_n3A_324 {strides = array<i32>} : memref<256x256xi32, #tpu.memory_space<vmem>>, vector<256x256xi32>,
    %iota3A_328 = tpu.iota {dimensions = array<i32: 0>} : vector<256x1xi32>
    %convert_element_type3A_329 = arith.sitofp %iota3A_328 : vector<256x1xi32> to vector<256x1xf32>
    %mul3A_330 = arith.constant 0.0666666701 : f32
    %mul3A_331 = vector.broadcast %mul3A_330 : f32 to vector<256x1xf32>
    %mul3A_332 = arith.mulf %convert_element_type3A_329, %mul3A_331 : vector<256x1xf32>
    %iota3A_333 = tpu.iota {dimensions = array<i32: 1>} : vector<1x128xi32>
    %convert_element_type3A_334 = arith.sitofp %iota3A_333 : vector<1x128xi32> to vector<1x128xf32>
    %mul3A_335 = arith.constant -0.0719557852 : f32
    %mul3A_336 = vector.broadcast %mul3A_335 : f32 to vector<1x128xf32>
    %mul3A_337 = arith.mulf %convert_element_type3A_334, %mul3A_336 : vector<1x128xf32>
    %exp3A = math.exp %mul3A_337 : vector<1x128xf32>
    %mul3A_338 = vector.broadcast %mul3A_332 : vector<256x1xf32> to vector<256x128xf32>
    %mul3A_339 = vector.broadcast %exp3A : vector<1x128xf32> to vector<256x128xf32>
    %mul3A_340 = arith.mulf %mul3A_338, %mul3A_339 : vector<256x128xf32>
    %mul3A_341 = arith.constant 0.636619746 : f32
    %mul3A_342 = vector.broadcast %mul3A_341 : f32 to vector<256x128xf32>
    %mul3A_343 = arith.mulf %mul3A_340, %mul3A_342 : vector<256x128xf32>
    %add3A_344 = arith.constant 5.000000e-01 : f32
    %add3A_345 = vector.broadcast %add3A_344 : f32 to vector<256x128xf32>
    %add3A_346 = arith.addf %mul3A_343, %add3A_345 : vector<256x128xf32>
    %floor3A = math.floor %add3A_346 : vector<256x128xf32>
    %convert_element_type3A_347 = arith.fptosi %floor3A : vector<256x128xf32> to vector<256x128xi32>
    %mul3A_348 = arith.constant 1.57078552 : f32
    %mul3A_349 = vector.broadcast %mul3A_348 : f32 to vector<256x128xf32>
    %mul3A_350 = arith.mulf %floor3A, %mul3A_349 : vector<256x128xf32>
    %sub3A_351 = arith.subf %mul3A_340, %mul3A_350 : vector<256x128xf32>
    %mul3A_352 = arith.constant 1.07803344E-5 : f32
    %mul3A_353 = vector.broadcast %mul3A_352 : f32 to vector<256x128xf32>
    %mul3A_354 = arith.mulf %floor3A, %mul3A_353 : vector<256x128xf32>
    %sub3A_355 = arith.subf %sub3A_351, %mul3A_354 : vector<256x128xf32>
    %mul3A_356 = arith.constant 2.39994868E-8 : f32
    %mul3A_357 = vector.broadcast %mul3A_356 : f32 to vector<256x128xf32>
    %mul3A_358 = arith.mulf %floor3A, %mul3A_357 : vector<256x128xf32>
    %sub3A_359 = arith.subf %sub3A_355, %mul3A_358 : vector<256x128xf32>
    %mul3A_360 = arith.mulf %sub3A_359, %sub3A_359 : vector<256x128xf32>
    %mul3A_361 = arith.constant -1.95152956E-4 : f32
    %mul3A_362 = vector.broadcast %mul3A_361 : f32 to vector<256x128xf32>
    %mul3A_363 = arith.mulf %mul3A_360, %mul3A_362 : vector<256x128xf32>
    %add3A_364 = arith.constant 0.00833216123 : f32
    %add3A_365 = vector.broadcast %add3A_364 : f32 to vector<256x128xf32>
    %add3A_366 = arith.addf %add3A_365, %mul3A_363 : vector<256x128xf32>
    %mul3A_367 = arith.mulf %mul3A_360, %add3A_366 : vector<256x128xf32>
    %add3A_368 = arith.constant -0.166666552 : f32
    %add3A_369 = vector.broadcast %add3A_368 : f32 to vector<256x128xf32>
    %add3A_370 = arith.addf %add3A_369, %mul3A_367 : vector<256x128xf32>
    %mul3A_371 = arith.mulf %mul3A_360, %add3A_370 : vector<256x128xf32>
    %add3A_372 = arith.constant 1.000000e+00 : f32
    %add3A_373 = vector.broadcast %add3A_372 : f32 to vector<256x128xf32>
    %add3A_374 = arith.addf %add3A_373, %mul3A_371 : vector<256x128xf32>
    %mul3A_375 = arith.mulf %sub3A_359, %add3A_374 : vector<256x128xf32>
    %mul3A_376 = arith.constant 2.44331568E-5 : f32
    %mul3A_377 = vector.broadcast %mul3A_376 : f32 to vector<256x128xf32>
    %mul3A_378 = arith.mulf %mul3A_360, %mul3A_377 : vector<256x128xf32>
    %add3A_379 = arith.constant -0.00138873165 : f32
    %add3A_380 = vector.broadcast %add3A_379 : f32 to vector<256x128xf32>
    %add3A_381 = arith.addf %add3A_380, %mul3A_378 : vector<256x128xf32>
    %mul3A_382 = arith.mulf %mul3A_360, %add3A_381 : vector<256x128xf32>
    %add3A_383 = arith.constant 0.0416666456 : f32
    %add3A_384 = vector.broadcast %add3A_383 : f32 to vector<256x128xf32>
    %add3A_385 = arith.addf %add3A_384, %mul3A_382 : vector<256x128xf32>
    %mul3A_386 = arith.mulf %mul3A_360, %add3A_385 : vector<256x128xf32>
    %add3A_387 = arith.constant -5.000000e-01 : f32
    %add3A_388 = vector.broadcast %add3A_387 : f32 to vector<256x128xf32>
    %add3A_389 = arith.addf %add3A_388, %mul3A_386 : vector<256x128xf32>
    %mul3A_390 = arith.mulf %mul3A_360, %add3A_389 : vector<256x128xf32>
    %add3A_391 = arith.constant 1.000000e+00 : f32
    %add3A_392 = vector.broadcast %add3A_391 : f32 to vector<256x128xf32>
    %add3A_393 = arith.addf %add3A_392, %mul3A_390 : vector<256x128xf32>
    %and3A_394 = arith.constant 1 : i32
    %and3A_395 = vector.broadcast %and3A_394 : i32 to vector<256x128xi32>
    %and3A_396 = arith.andi %convert_element_type3A_347, %and3A_395 : vector<256x128xi32>
    %eq3A_397 = arith.constant 1 : i32
    %eq3A_398 = vector.broadcast %eq3A_397 : i32 to vector<256x128xi32>
    %eq3A_399 = arith.cmpi eq, %and3A_396, %eq3A_398 : vector<256x128xi32>
    %and3A_400 = arith.constant 2 : i32
    %and3A_401 = vector.broadcast %and3A_400 : i32 to vector<256x128xi32>
    %and3A_402 = arith.andi %convert_element_type3A_347, %and3A_401 : vector<256x128xi32>
    %eq3A_403 = arith.constant 2 : i32
    %eq3A_404 = vector.broadcast %eq3A_403 : i32 to vector<256x128xi32>
    %eq3A_405 = arith.cmpi eq, %and3A_402, %eq3A_404 : vector<256x128xi32>
    %select_n3A_406 = arith.select %eq3A_399, %add3A_393, %mul3A_375 : vector<256x128xi1>, vector<256x128xf32>
    %select_n3A_407 = arith.select %eq3A_399, %mul3A_375, %add3A_393 : vector<256x128xi1>, vector<256x128xf32>
    %neg3A = arith.constant 0.000000e+00 : f32
    %neg3A_408 = vector.broadcast %neg3A : f32 to vector<256x128xf32>
    %neg3A_409 = arith.subf %neg3A_408, %select_n3A_406 : vector<256x128xf32>
    %select_n3A_410 = arith.select %eq3A_405, %neg3A_409, %select_n3A_406 : vector<256x128xi1>, vector<256x128xf32>
    %ne3A = arith.xori %eq3A_399, %eq3A_405 : vector<256x128xi1>
    %neg3A_411 = arith.constant 0.000000e+00 : f32
    %neg3A_412 = vector.broadcast %neg3A_411 : f32 to vector<256x128xf32>
    %neg3A_413 = arith.subf %neg3A_412, %select_n3A_407 : vector<256x128xf32>
    %select_n3A_414 = arith.select %ne3A, %neg3A_413, %select_n3A_407 : vector<256x128xi1>, vector<256x128xf32>
    %concatenate3A = tpu.concatenate %select_n3A_410, %select_n3A_414 in 1 : vector<256x128xf32>, vector<256x128xf32> -> vector<256x256xf32>
    %get3A_415 = arith.constant 0 : index
    %get3A_416 = arith.constant 0 : index
    %get3A_417 = vector.load %arg3[%get3A_415, %get3A_416] : memref<256x256xf32, #tpu.memory_space<vmem>>, vector<256x256xf32>
    %dot_general3A = arith.constant dense<0.000000e+00> : vector<256x256xf32>
    %dot_general3A_418 = tpu.matmul %concatenate3A, %get3A_417, %dot_general3A {dimension_numbers = #tpu.dot_dimension_numbers<[1], [0], [0], [1], [0, 0, 1, 1], [], []>, transpose_lhs_hint = false} : vector<256x256xf32>, vector<256x256xf32>, vector<256x256xf32> -> vector<256x256xf32>
    %get3A_419 = arith.constant 0 : index
    %get3A_420 = arith.constant 0 : index
    %get3A_421 = vector.load %arg4[%get3A_419, %get3A_420] : memref<1x256xf32, #tpu.memory_space<vmem>>, vector<1x256xf32>
    %add3A_422 = vector.broadcast %get3A_421 : vector<1x256xf32> to vector<256x256xf32>
    %add3A_423 = arith.addf %dot_general3A_418, %add3A_422 : vector<256x256xf32>
    %le3A = arith.constant 180 : i32
    %le3A_424 = vector.broadcast %le3A : i32 to vector<256x1xi32>
    %le3A_425 = arith.cmpi sle, %iota3A_328, %le3A_424 : vector<256x1xi32>
    %jit3A_426 = arith.constant 0.000000e+00 : f32
    %broadcast_in_dim3A_427 = vector.shape_cast %le3A_425 : vector<256x1xi1> to vector<256x1xi1>
    %broadcast_in_dim3A_428 = vector.broadcast %broadcast_in_dim3A_427 : vector<256x1xi1> to vector<256x256xi1>
    %broadcast_in_dim3A_429 = vector.broadcast %jit3A_426 : f32 to vector<256x256xf32>
    %select_n3A_430 = arith.select %broadcast_in_dim3A_428, %add3A_423, %broadcast_in_dim3A_429 : vector<256x256xi1>, vector<256x256xf32>
    %swap3A_431 = arith.constant 0 : index
    %swap3A_432 = arith.constant 0 : index
    %swap3A_433 = vector.load %arg9[%swap3A_431, %swap3A_432] : memref<256x256xf32, #tpu.memory_space<vmem>>, vector<256x256xf32>
    tpu.vector_store %arg9[%swap3A_431, %swap3A_432], %select_n3A_430 {strides = array<i32>} : memref<256x256xf32, #tpu.memory_space<vmem>>, vector<256x256xf32>,
    return
  }
}

module attributes {stable_mosaic.version = 14 : i64} {
  func.func @_dense_kernel(%arg0: i32, %arg1: memref<2048x1xf32, #tpu.memory_space<vmem>>, %arg2: memref<2048x1xi32, #tpu.memory_space<vmem>>, %arg3: memref<2048x1xi32, #tpu.memory_space<vmem>>, %arg4: memref<2048x1xi32, #tpu.memory_space<vmem>>, %arg5: memref<256x256xf32, #tpu.memory_space<vmem>>, %arg6: memref<256x256xf32, #tpu.memory_space<vmem>>, %arg7: memref<1x256xf32, #tpu.memory_space<vmem>>, %arg8: memref<256x256xf32, #tpu.memory_space<vmem>>, %arg9: memref<1x256xf32, #tpu.memory_space<vmem>>, %arg10: memref<1x256xf32, #tpu.memory_space<vmem>>, %arg11: memref<1x256xf32, #tpu.memory_space<vmem>>, %arg12: memref<2048x256xf32, #tpu.memory_space<vmem>>) attributes {dimension_semantics = [#tpu.dimension_semantics<arbitrary>], iteration_bounds = array<i64: 32>, scalar_prefetch = 0 : i64, scratch_operands = 0 : i64, tpu.core_type = #tpu.core_type<tc>, window_params = [{transform_indices = @transform_0, window_bounds = array<i64: 2048, 1>}, {transform_indices = @transform_1, window_bounds = array<i64: 2048, 1>}, {transform_indices = @transform_2, window_bounds = array<i64: 2048, 1>}, {transform_indices = @transform_3, window_bounds = array<i64: 2048, 1>}, {pipeline_mode = #tpu.pipeline_mode<synchronous>, transform_indices = @transform_4, window_bounds = array<i64: 256, 256>}, {pipeline_mode = #tpu.pipeline_mode<synchronous>, transform_indices = @transform_5, window_bounds = array<i64: 256, 256>}, {pipeline_mode = #tpu.pipeline_mode<synchronous>, transform_indices = @transform_6, window_bounds = array<i64: 1, 256>}, {pipeline_mode = #tpu.pipeline_mode<synchronous>, transform_indices = @transform_7, window_bounds = array<i64: 256, 256>}, {pipeline_mode = #tpu.pipeline_mode<synchronous>, transform_indices = @transform_8, window_bounds = array<i64: 1, 256>}, {pipeline_mode = #tpu.pipeline_mode<synchronous>, transform_indices = @transform_9, window_bounds = array<i64: 1, 256>}, {pipeline_mode = #tpu.pipeline_mode<synchronous>, transform_indices = @transform_10, window_bounds = array<i64: 1, 256>}, {transform_indices = @transform_11, window_bounds = array<i64: 2048, 256>}]} {
    %get3A = arith.constant 0 : index
    %get3A_0 = arith.constant 0 : index
    %get3A_1 = vector.load %arg1[%get3A, %get3A_0] : memref<2048x1xf32, #tpu.memory_space<vmem>>, vector<2048x1xf32>
    %iota3A = tpu.iota {dimensions = array<i32: 1>} : vector<1x128xi32>
    %convert_element_type3A = arith.sitofp %iota3A : vector<1x128xi32> to vector<1x128xf32>
    %mul3A = arith.constant -0.0719557852 : f32
    %mul3A_2 = vector.broadcast %mul3A : f32 to vector<1x128xf32>
    %mul3A_3 = arith.mulf %convert_element_type3A, %mul3A_2 : vector<1x128xf32>
    %exp3A = math.exp %mul3A_3 : vector<1x128xf32>
    %mul3A_4 = vector.broadcast %get3A_1 : vector<2048x1xf32> to vector<2048x128xf32>
    %mul3A_5 = vector.broadcast %exp3A : vector<1x128xf32> to vector<2048x128xf32>
    %mul3A_6 = arith.mulf %mul3A_4, %mul3A_5 : vector<2048x128xf32>
    %mul3A_7 = arith.constant 0.636619746 : f32
    %mul3A_8 = vector.broadcast %mul3A_7 : f32 to vector<2048x128xf32>
    %mul3A_9 = arith.mulf %mul3A_6, %mul3A_8 : vector<2048x128xf32>
    %add3A = arith.constant 5.000000e-01 : f32
    %add3A_10 = vector.broadcast %add3A : f32 to vector<2048x128xf32>
    %add3A_11 = arith.addf %mul3A_9, %add3A_10 : vector<2048x128xf32>
    %floor3A = math.floor %add3A_11 : vector<2048x128xf32>
    %convert_element_type3A_12 = arith.fptosi %floor3A : vector<2048x128xf32> to vector<2048x128xi32>
    %mul3A_13 = arith.constant 1.57078552 : f32
    %mul3A_14 = vector.broadcast %mul3A_13 : f32 to vector<2048x128xf32>
    %mul3A_15 = arith.mulf %floor3A, %mul3A_14 : vector<2048x128xf32>
    %sub3A = arith.subf %mul3A_6, %mul3A_15 : vector<2048x128xf32>
    %mul3A_16 = arith.constant 1.07803344E-5 : f32
    %mul3A_17 = vector.broadcast %mul3A_16 : f32 to vector<2048x128xf32>
    %mul3A_18 = arith.mulf %floor3A, %mul3A_17 : vector<2048x128xf32>
    %sub3A_19 = arith.subf %sub3A, %mul3A_18 : vector<2048x128xf32>
    %mul3A_20 = arith.constant 2.39994868E-8 : f32
    %mul3A_21 = vector.broadcast %mul3A_20 : f32 to vector<2048x128xf32>
    %mul3A_22 = arith.mulf %floor3A, %mul3A_21 : vector<2048x128xf32>
    %sub3A_23 = arith.subf %sub3A_19, %mul3A_22 : vector<2048x128xf32>
    %mul3A_24 = arith.mulf %sub3A_23, %sub3A_23 : vector<2048x128xf32>
    %mul3A_25 = arith.constant -1.95152956E-4 : f32
    %mul3A_26 = vector.broadcast %mul3A_25 : f32 to vector<2048x128xf32>
    %mul3A_27 = arith.mulf %mul3A_24, %mul3A_26 : vector<2048x128xf32>
    %add3A_28 = arith.constant 0.00833216123 : f32
    %add3A_29 = vector.broadcast %add3A_28 : f32 to vector<2048x128xf32>
    %add3A_30 = arith.addf %add3A_29, %mul3A_27 : vector<2048x128xf32>
    %mul3A_31 = arith.mulf %mul3A_24, %add3A_30 : vector<2048x128xf32>
    %add3A_32 = arith.constant -0.166666552 : f32
    %add3A_33 = vector.broadcast %add3A_32 : f32 to vector<2048x128xf32>
    %add3A_34 = arith.addf %add3A_33, %mul3A_31 : vector<2048x128xf32>
    %mul3A_35 = arith.mulf %mul3A_24, %add3A_34 : vector<2048x128xf32>
    %add3A_36 = arith.constant 1.000000e+00 : f32
    %add3A_37 = vector.broadcast %add3A_36 : f32 to vector<2048x128xf32>
    %add3A_38 = arith.addf %add3A_37, %mul3A_35 : vector<2048x128xf32>
    %mul3A_39 = arith.mulf %sub3A_23, %add3A_38 : vector<2048x128xf32>
    %mul3A_40 = arith.constant 2.44331568E-5 : f32
    %mul3A_41 = vector.broadcast %mul3A_40 : f32 to vector<2048x128xf32>
    %mul3A_42 = arith.mulf %mul3A_24, %mul3A_41 : vector<2048x128xf32>
    %add3A_43 = arith.constant -0.00138873165 : f32
    %add3A_44 = vector.broadcast %add3A_43 : f32 to vector<2048x128xf32>
    %add3A_45 = arith.addf %add3A_44, %mul3A_42 : vector<2048x128xf32>
    %mul3A_46 = arith.mulf %mul3A_24, %add3A_45 : vector<2048x128xf32>
    %add3A_47 = arith.constant 0.0416666456 : f32
    %add3A_48 = vector.broadcast %add3A_47 : f32 to vector<2048x128xf32>
    %add3A_49 = arith.addf %add3A_48, %mul3A_46 : vector<2048x128xf32>
    %mul3A_50 = arith.mulf %mul3A_24, %add3A_49 : vector<2048x128xf32>
    %add3A_51 = arith.constant -5.000000e-01 : f32
    %add3A_52 = vector.broadcast %add3A_51 : f32 to vector<2048x128xf32>
    %add3A_53 = arith.addf %add3A_52, %mul3A_50 : vector<2048x128xf32>
    %mul3A_54 = arith.mulf %mul3A_24, %add3A_53 : vector<2048x128xf32>
    %add3A_55 = arith.constant 1.000000e+00 : f32
    %add3A_56 = vector.broadcast %add3A_55 : f32 to vector<2048x128xf32>
    %add3A_57 = arith.addf %add3A_56, %mul3A_54 : vector<2048x128xf32>
    %and3A = arith.constant 1 : i32
    %and3A_58 = vector.broadcast %and3A : i32 to vector<2048x128xi32>
    %and3A_59 = arith.andi %convert_element_type3A_12, %and3A_58 : vector<2048x128xi32>
    %eq3A = arith.constant 1 : i32
    %eq3A_60 = vector.broadcast %eq3A : i32 to vector<2048x128xi32>
    %eq3A_61 = arith.cmpi eq, %and3A_59, %eq3A_60 : vector<2048x128xi32>
    %and3A_62 = arith.constant 2 : i32
    %and3A_63 = vector.broadcast %and3A_62 : i32 to vector<2048x128xi32>
    %and3A_64 = arith.andi %convert_element_type3A_12, %and3A_63 : vector<2048x128xi32>
    %eq3A_65 = arith.constant 2 : i32
    %eq3A_66 = vector.broadcast %eq3A_65 : i32 to vector<2048x128xi32>
    %eq3A_67 = arith.cmpi eq, %and3A_64, %eq3A_66 : vector<2048x128xi32>
    %select_n3A = arith.select %eq3A_61, %add3A_57, %mul3A_39 : vector<2048x128xi1>, vector<2048x128xf32>
    %select_n3A_68 = arith.select %eq3A_61, %mul3A_39, %add3A_57 : vector<2048x128xi1>, vector<2048x128xf32>
    %neg3A = arith.constant 0.000000e+00 : f32
    %neg3A_69 = vector.broadcast %neg3A : f32 to vector<2048x128xf32>
    %neg3A_70 = arith.subf %neg3A_69, %select_n3A : vector<2048x128xf32>
    %select_n3A_71 = arith.select %eq3A_67, %neg3A_70, %select_n3A : vector<2048x128xi1>, vector<2048x128xf32>
    %ne3A = arith.xori %eq3A_61, %eq3A_67 : vector<2048x128xi1>
    %neg3A_72 = arith.constant 0.000000e+00 : f32
    %neg3A_73 = vector.broadcast %neg3A_72 : f32 to vector<2048x128xf32>
    %neg3A_74 = arith.subf %neg3A_73, %select_n3A_68 : vector<2048x128xf32>
    %select_n3A_75 = arith.select %ne3A, %neg3A_74, %select_n3A_68 : vector<2048x128xi1>, vector<2048x128xf32>
    %concatenate3A = tpu.concatenate %select_n3A_71, %select_n3A_75 in 1 : vector<2048x128xf32>, vector<2048x128xf32> -> vector<2048x256xf32>
    %get3A_76 = arith.constant 0 : index
    %get3A_77 = arith.constant 0 : index
    %get3A_78 = vector.load %arg6[%get3A_76, %get3A_77] : memref<256x256xf32, #tpu.memory_space<vmem>>, vector<256x256xf32>
    %dot_general3A = arith.constant dense<0.000000e+00> : vector<2048x256xf32>
    %dot_general3A_79 = tpu.matmul %concatenate3A, %get3A_78, %dot_general3A {dimension_numbers = #tpu.dot_dimension_numbers<[1], [0], [0], [1], [0, 0, 1, 1], [], []>, transpose_lhs_hint = false} : vector<2048x256xf32>, vector<256x256xf32>, vector<2048x256xf32> -> vector<2048x256xf32>
    %get3A_80 = arith.constant 0 : index
    %get3A_81 = arith.constant 0 : index
    %get3A_82 = vector.load %arg7[%get3A_80, %get3A_81] : memref<1x256xf32, #tpu.memory_space<vmem>>, vector<1x256xf32>
    %add3A_83 = vector.broadcast %get3A_82 : vector<1x256xf32> to vector<2048x256xf32>
    %add3A_84 = arith.addf %dot_general3A_79, %add3A_83 : vector<2048x256xf32>
    %iota3A_85 = tpu.iota {dimensions = array<i32: 1>} : vector<2048x256xi32>
    %get3A_86 = arith.constant 0 : index
    %get3A_87 = arith.constant 0 : index
    %get3A_88 = vector.load %arg5[%get3A_86, %get3A_87] : memref<256x256xf32, #tpu.memory_space<vmem>>, vector<256x256xf32>
    %get3A_89 = arith.constant 0 : index
    %get3A_90 = arith.constant 0 : index
    %get3A_91 = vector.load %arg2[%get3A_89, %get3A_90] : memref<2048x1xi32, #tpu.memory_space<vmem>>, vector<2048x1xi32>
    %eq3A_92 = vector.broadcast %get3A_91 : vector<2048x1xi32> to vector<2048x256xi32>
    %eq3A_93 = arith.cmpi eq, %iota3A_85, %eq3A_92 : vector<2048x256xi32>
    %convert_element_type3A_94 = arith.extui %eq3A_93 : vector<2048x256xi1> to vector<2048x256xi32>
    %convert_element_type3A_95 = arith.sitofp %convert_element_type3A_94 : vector<2048x256xi32> to vector<2048x256xf32>
    %dot_general3A_96 = arith.constant dense<0.000000e+00> : vector<2048x256xf32>
    %dot_general3A_97 = tpu.matmul %convert_element_type3A_95, %get3A_88, %dot_general3A_96 {dimension_numbers = #tpu.dot_dimension_numbers<[1], [0], [0], [1], [0, 0, 1, 1], [], []>, transpose_lhs_hint = false} : vector<2048x256xf32>, vector<256x256xf32>, vector<2048x256xf32> -> vector<2048x256xf32>
    %get3A_98 = arith.constant 0 : index
    %get3A_99 = arith.constant 0 : index
    %get3A_100 = vector.load %arg3[%get3A_98, %get3A_99] : memref<2048x1xi32, #tpu.memory_space<vmem>>, vector<2048x1xi32>
    %eq3A_101 = vector.broadcast %get3A_100 : vector<2048x1xi32> to vector<2048x256xi32>
    %eq3A_102 = arith.cmpi eq, %iota3A_85, %eq3A_101 : vector<2048x256xi32>
    %convert_element_type3A_103 = arith.extui %eq3A_102 : vector<2048x256xi1> to vector<2048x256xi32>
    %convert_element_type3A_104 = arith.sitofp %convert_element_type3A_103 : vector<2048x256xi32> to vector<2048x256xf32>
    %dot_general3A_105 = arith.constant dense<0.000000e+00> : vector<2048x256xf32>
    %dot_general3A_106 = tpu.matmul %convert_element_type3A_104, %get3A_88, %dot_general3A_105 {dimension_numbers = #tpu.dot_dimension_numbers<[1], [0], [0], [1], [0, 0, 1, 1], [], []>, transpose_lhs_hint = false} : vector<2048x256xf32>, vector<256x256xf32>, vector<2048x256xf32> -> vector<2048x256xf32>
    %max3A = arith.maximumf %dot_general3A_97, %dot_general3A_106 : vector<2048x256xf32>
    %get3A_107 = arith.constant 0 : index
    %get3A_108 = arith.constant 0 : index
    %get3A_109 = vector.load %arg4[%get3A_107, %get3A_108] : memref<2048x1xi32, #tpu.memory_space<vmem>>, vector<2048x1xi32>
    %eq3A_110 = vector.broadcast %get3A_109 : vector<2048x1xi32> to vector<2048x256xi32>
    %eq3A_111 = arith.cmpi eq, %iota3A_85, %eq3A_110 : vector<2048x256xi32>
    %convert_element_type3A_112 = arith.extui %eq3A_111 : vector<2048x256xi1> to vector<2048x256xi32>
    %convert_element_type3A_113 = arith.sitofp %convert_element_type3A_112 : vector<2048x256xi32> to vector<2048x256xf32>
    %dot_general3A_114 = arith.constant dense<0.000000e+00> : vector<2048x256xf32>
    %dot_general3A_115 = tpu.matmul %convert_element_type3A_113, %get3A_88, %dot_general3A_114 {dimension_numbers = #tpu.dot_dimension_numbers<[1], [0], [0], [1], [0, 0, 1, 1], [], []>, transpose_lhs_hint = false} : vector<2048x256xf32>, vector<256x256xf32>, vector<2048x256xf32> -> vector<2048x256xf32>
    %max3A_116 = arith.maximumf %max3A, %dot_general3A_115 : vector<2048x256xf32>
    %add3A_117 = arith.addf %add3A_84, %max3A_116 : vector<2048x256xf32>
    %mul3A_118 = arith.constant 2.000000e-01 : f32
    %mul3A_119 = vector.broadcast %mul3A_118 : f32 to vector<2048x256xf32>
    %mul3A_120 = arith.mulf %mul3A_119, %add3A_117 : vector<2048x256xf32>
    %max3A_121 = arith.maximumf %add3A_117, %mul3A_120 : vector<2048x256xf32>
    %get3A_122 = arith.constant 0 : index
    %get3A_123 = arith.constant 0 : index
    %get3A_124 = vector.load %arg8[%get3A_122, %get3A_123] : memref<256x256xf32, #tpu.memory_space<vmem>>, vector<256x256xf32>
    %dot_general3A_125 = arith.constant dense<0.000000e+00> : vector<2048x256xf32>
    %dot_general3A_126 = tpu.matmul %max3A_121, %get3A_124, %dot_general3A_125 {dimension_numbers = #tpu.dot_dimension_numbers<[1], [0], [0], [1], [0, 0, 1, 1], [], []>, transpose_lhs_hint = false} : vector<2048x256xf32>, vector<256x256xf32>, vector<2048x256xf32> -> vector<2048x256xf32>
    %get3A_127 = arith.constant 0 : index
    %get3A_128 = arith.constant 0 : index
    %get3A_129 = vector.load %arg9[%get3A_127, %get3A_128] : memref<1x256xf32, #tpu.memory_space<vmem>>, vector<1x256xf32>
    %add3A_130 = vector.broadcast %get3A_129 : vector<1x256xf32> to vector<2048x256xf32>
    %add3A_131 = arith.addf %dot_general3A_126, %add3A_130 : vector<2048x256xf32>
    %reduce_sum3A = arith.constant dense<0.000000e+00> : vector<2048xf32>
    %reduce_sum3A_132 = vector.multi_reduction <add>, %add3A_131, %reduce_sum3A [1] : vector<2048x256xf32> to vector<2048xf32>
    %broadcast_in_dim3A = vector.shape_cast %reduce_sum3A_132 : vector<2048xf32> to vector<2048x1xf32>
    %div3A = arith.constant 2.560000e+02 : f32
    %div3A_133 = vector.broadcast %div3A : f32 to vector<2048x1xf32>
    %div3A_134 = arith.divf %broadcast_in_dim3A, %div3A_133 : vector<2048x1xf32>
    %sub3A_135 = vector.broadcast %div3A_134 : vector<2048x1xf32> to vector<2048x256xf32>
    %sub3A_136 = arith.subf %add3A_131, %sub3A_135 : vector<2048x256xf32>
    %sub3A_137 = vector.broadcast %div3A_134 : vector<2048x1xf32> to vector<2048x256xf32>
    %sub3A_138 = arith.subf %add3A_131, %sub3A_137 : vector<2048x256xf32>
    %mul3A_139 = arith.mulf %sub3A_136, %sub3A_138 : vector<2048x256xf32>
    %reduce_sum3A_140 = arith.constant dense<0.000000e+00> : vector<2048xf32>
    %reduce_sum3A_141 = vector.multi_reduction <add>, %mul3A_139, %reduce_sum3A_140 [1] : vector<2048x256xf32> to vector<2048xf32>
    %broadcast_in_dim3A_142 = vector.shape_cast %reduce_sum3A_141 : vector<2048xf32> to vector<2048x1xf32>
    %div3A_143 = arith.constant 2.560000e+02 : f32
    %div3A_144 = vector.broadcast %div3A_143 : f32 to vector<2048x1xf32>
    %div3A_145 = arith.divf %broadcast_in_dim3A_142, %div3A_144 : vector<2048x1xf32>
    %sub3A_146 = vector.broadcast %div3A_134 : vector<2048x1xf32> to vector<2048x256xf32>
    %sub3A_147 = arith.subf %add3A_131, %sub3A_146 : vector<2048x256xf32>
    %add3A_148 = arith.constant 9.99999974E-6 : f32
    %add3A_149 = vector.broadcast %add3A_148 : f32 to vector<2048x1xf32>
    %add3A_150 = arith.addf %div3A_145, %add3A_149 : vector<2048x1xf32>
    %rsqrt3A = math.rsqrt %add3A_150 : vector<2048x1xf32>
    %mul3A_151 = vector.broadcast %rsqrt3A : vector<2048x1xf32> to vector<2048x256xf32>
    %mul3A_152 = arith.mulf %sub3A_147, %mul3A_151 : vector<2048x256xf32>
    %get3A_153 = arith.constant 0 : index
    %get3A_154 = arith.constant 0 : index
    %get3A_155 = vector.load %arg10[%get3A_153, %get3A_154] : memref<1x256xf32, #tpu.memory_space<vmem>>, vector<1x256xf32>
    %mul3A_156 = vector.broadcast %get3A_155 : vector<1x256xf32> to vector<2048x256xf32>
    %mul3A_157 = arith.mulf %mul3A_152, %mul3A_156 : vector<2048x256xf32>
    %get3A_158 = arith.constant 0 : index
    %get3A_159 = arith.constant 0 : index
    %get3A_160 = vector.load %arg11[%get3A_158, %get3A_159] : memref<1x256xf32, #tpu.memory_space<vmem>>, vector<1x256xf32>
    %add3A_161 = vector.broadcast %get3A_160 : vector<1x256xf32> to vector<2048x256xf32>
    %add3A_162 = arith.addf %mul3A_157, %add3A_161 : vector<2048x256xf32>
    %swap3A = arith.constant 0 : index
    %swap3A_163 = arith.constant 0 : index
    %swap3A_164 = vector.load %arg12[%swap3A, %swap3A_163] : memref<2048x256xf32, #tpu.memory_space<vmem>>, vector<2048x256xf32>
    tpu.vector_store %arg12[%swap3A, %swap3A_163], %add3A_162 {strides = array<i32>} : memref<2048x256xf32, #tpu.memory_space<vmem>>, vector<2048x256xf32>,
    return
  }
  func.func @transform_0(%arg0: i32) -> (i32, i32) {
    %c0_i32 = arith.constant 0 : i32
    %c0_i32_0 = arith.constant 0 : i32
    return %arg0, %c0_i32 : i32, i32
  }
  func.func @transform_1(%arg0: i32) -> (i32, i32) {
    %c0_i32 = arith.constant 0 : i32
    %c0_i32_0 = arith.constant 0 : i32
    return %arg0, %c0_i32 : i32, i32
  }
  func.func @transform_2(%arg0: i32) -> (i32, i32) {
    %c0_i32 = arith.constant 0 : i32
    %c0_i32_0 = arith.constant 0 : i32
    return %arg0, %c0_i32 : i32, i32
  }
  func.func @transform_3(%arg0: i32) -> (i32, i32) {
    %c0_i32 = arith.constant 0 : i32
    %c0_i32_0 = arith.constant 0 : i32
    return %arg0, %c0_i32 : i32, i32
  }
  func.func @transform_4(%arg0: i32) -> (i32, i32) {
    %c0_i32 = arith.constant 0 : i32
    %c0_i32_0 = arith.constant 0 : i32
    %c0_i32_1 = arith.constant 0 : i32
    return %c0_i32, %c0_i32_0 : i32, i32
  }
  func.func @transform_5(%arg0: i32) -> (i32, i32) {
    %c0_i32 = arith.constant 0 : i32
    %c0_i32_0 = arith.constant 0 : i32
    %c0_i32_1 = arith.constant 0 : i32
    return %c0_i32, %c0_i32_0 : i32, i32
  }
  func.func @transform_6(%arg0: i32) -> (i32, i32) {
    %c0_i32 = arith.constant 0 : i32
    %c0_i32_0 = arith.constant 0 : i32
    %c0_i32_1 = arith.constant 0 : i32
    return %c0_i32, %c0_i32_0 : i32, i32
  }
  func.func @transform_7(%arg0: i32) -> (i32, i32) {
    %c0_i32 = arith.constant 0 : i32
    %c0_i32_0 = arith.constant 0 : i32
    %c0_i32_1 = arith.constant 0 : i32
    return %c0_i32, %c0_i32_0 : i32, i32
  }
  func.func @transform_8(%arg0: i32) -> (i32, i32) {
    %c0_i32 = arith.constant 0 : i32
    %c0_i32_0 = arith.constant 0 : i32
    %c0_i32_1 = arith.constant 0 : i32
    return %c0_i32, %c0_i32_0 : i32, i32
  }
  func.func @transform_9(%arg0: i32) -> (i32, i32) {
    %c0_i32 = arith.constant 0 : i32
    %c0_i32_0 = arith.constant 0 : i32
    %c0_i32_1 = arith.constant 0 : i32
    return %c0_i32, %c0_i32_0 : i32, i32
  }
  func.func @transform_10(%arg0: i32) -> (i32, i32) {
    %c0_i32 = arith.constant 0 : i32
    %c0_i32_0 = arith.constant 0 : i32
    %c0_i32_1 = arith.constant 0 : i32
    return %c0_i32, %c0_i32_0 : i32, i32
  }
  func.func @transform_11(%arg0: i32) -> (i32, i32) {
    %c0_i32 = arith.constant 0 : i32
    %c0_i32_0 = arith.constant 0 : i32
    return %arg0, %c0_i32 : i32, i32
  }
}

</mosaic_0001>

<sc_bundles>
// kernel: kernel.5.cloned.1.call-start
scs
__scs_entry_jumppad:
0x0: {  	(pc) =	sbr.rel $0x88, $3  }
0x1: {  	(tag) =	ssettag $0x0;
	lr =	simm.s32 $0x1  }
0x2: {  	[smem:$0x3F98] =	sst lr;
	_ =	strace $0xD0000000  }
0x3: {  	_ = 	snop  }
0x4: {  	_ = 	snop  }
0x5: {  	_ = 	snop  }
0x6: {  	_ = 	snop  }
0x7: {  	_ = 	snop  }
__scs_overlays_trampoline_lowered:
0x8: {  	[smem:$0x3FA7] =	sst s0  }
0x9: {  	[smem:$0x3FA8] =	sst s1  }
0xa: {  	[smem:$0x3FA9] =	sst s2  }
0xb: {  	[smem:$0x3FAA] =	sst s3  }
0xc: {  	[smem:$0x3FAB] =	sst s4  }
0xd: {  	[smem:$0x3FAC] =	sst s5  }
0xe: {  	[smem:$0x3FAD] =	sst s6  }
0xf: {  	[smem:$0x3FAE] =	sst s7  }
0x10: {  	[smem:$0x3FAF] =	sst s8  }
0x11: {  	[smem:$0x3FB0] =	sst s9;
	s0 =	simm.s32 @!p0 $0x0  }
0x12: {  	s1 =	sld [smem:$0x3F96];
	s0 =	simm.s32 @p0 $0x1  }
0x13: {  	[smem:$0x3FB1] =	sst s0;
	s0 =	simm.s32 @!p1 $0x0  }
0x14: {  	s2 =	sld [smem:$0x3F95];
	s0 =	simm.s32 @p1 $0x1  }
0x15: {  	[smem:$0x3FB2] =	sst s0;
	s0 =	simm.s32 @!p2 $0x0  }
0x16: {  	s3 =	sld [smem:$0x3FDB];
	s0 =	simm.s32 @p2 $0x1  }
0x17: {  	s4 =	simm.s32 $0x1BF5;
	[smem:$0x3FB4] =	sst s0  }
0x18: {  	s0 =	sld [smem:$0x3F97];
	_ =	swait.ge [sflag:s4], $0x0  }
0x19: {  	s7 =	sld [smem:$0x3F98]  }
0x1a: {  	s8 =	sadd.s32 $0xFFFFE003, lr  }
0x1b: {  	s9 =	sadd.s32 $0xFFFFFEF7, lr;
	s5 =	simm.s32 $0xFFFFFFFF;
	p2 =	slt.u32 s8, $0xFFFFF086  }
0x1c: {  	p1 =	slt.u32 s9, $0xF7A;
	s5 =	simm.s32 @!p2 $0x0  }
0x1d: {  	s5 =	simm.s32 @p1 $0x1;
	p0 =	seq.s32 s7, s2  }
0x1e: {  	s7 =	smul.u32 @!p0 $0xF7A, s2;
	p2 =	seq.s32 @!p0 s5, $0x0  }
0x1f: {  	s9 =	smul.u32 $0xF7A, s1;
	s8 =	simm.s32 @!p0 $0x1BF5;
	p2 =	por !p2, p0  }
0x20: {  	[sflag:s8] =	ssyncset.s32 @!p0 $0xFFFFF086;
	s6 =	sadd.s32 @!p0 s3, s7;
	s7 =	simm.s32 @!p0 $0x108  }
0x21: {  	s3 =	sadd.s32 s3, s9;
	s6 =	sadd.s32 @!p0 $0x88, s6;
	s7 =	simm.s32 @p2 $0x1082  }
0x22: {  	[simem:s7], [sflag:s8] =	dma.local @!p0 [hbm:s6], $0xF7A  }
0x23: {  	s9 =	sor.u32 $0xD0000000, s2;
	s6 =	simm.s32 $0x108;
	_ =	swait.ge @!p0 [sflag:s8], $0x0  }
0x24: {  	s3 =	sadd.s32 $0x88, s3;
	s6 =	simm.s32 @!p1 $0x1082;
	[sflag:s4] =	ssyncset.s32 $0xFFFFF086  }
0x25: {  	[simem:s6], [sflag:s4] =	dma.local [hbm:s3], $0xF7A  }
0x26: {  	[smem:$0x3F98] =	sst s1;
	(tag) =	ssettag s2;
	_ =	strace s9  }
0x27: {  	s1 =	sld [smem:$0x3FA8]  }
0x28: {  	s2 =	sld [smem:$0x3FA9]  }
0x29: {  	s4 =	sld [smem:$0x3FAB]  }
0x2a: {  	p0 =	seq.s32 s5, $0x0;
	s5 =	sld [smem:$0x3FAC]  }
0x2b: {  	s6 =	sld [smem:$0x3FAD]  }
0x2c: {  	s7 =	sld [smem:$0x3FAE]  }
0x2d: {  	s3 =	simm.s32 $0x108;
	s8 =	sld [smem:$0x3FAF]  }
0x2e: {  	s3 =	simm.s32 @!p0 $0x1082;
	s9 =	sld [smem:$0x3FB0]  }
0x2f: {  	lr =	sadd.s32 s0, s3;
	s0 =	sld [smem:$0x3FA7]  }
0x30: {  	s3 =	sld [smem:$0x3FAA]  }
0x31: {  	[smem:$0x3FB3] =	sst s10  }
0x32: {  	s10 =	sld [smem:$0x3FB1];
	_ =	sdelay $0x3  }
0x33: {  	p0 =	seq.s32 s10, $0x1;
	s10 =	sld [smem:$0x3FB3];
	_ =	sdelay $0x3  }
0x34: {  	[smem:$0x3FB3] =	sst s10  }
0x35: {  	s10 =	sld [smem:$0x3FB2];
	_ =	sdelay $0x3  }
0x36: {  	p1 =	seq.s32 s10, $0x1;
	s10 =	sld [smem:$0x3FB3];
	_ =	sdelay $0x3  }
0x37: {  	[smem:$0x3FB3] =	sst s10  }
0x38: {  	s10 =	sld [smem:$0x3FB4]  }
0x39: {  	_ = 	snop;
	(pc) =	sbr.ind lr, $3  }
0x3a: {  	_ = 	snop  }
0x3b: {  	_ = 	snop  }
0x3c: {  	p2 =	seq.s32 s10, $0x1;
	s10 =	sld [smem:$0x3FB3]  }
0x3d: {  	_ =	shalt  }
0x3e: {  	_ =	shalt  }
0x3f: {  	_ =	shalt  }
0x40: {  	_ =	shalt  }
0x41: {  	_ =	shalt  }
0x42: {  	_ =	shalt  }
0x43: {  	_ =	shalt  }
0x44: {  	_ =	shalt  }
0x45: {  	_ =	shalt  }
0x46: {  	_ =	shalt  }
0x47: {  	_ =	shalt  }
0x48: {  	_ =	shalt  }
0x49: {  	_ =	shalt  }
0x4a: {  	_ =	shalt  }
0x4b: {  	_ =	shalt  }
0x4c: {  	_ =	shalt  }
0x4d: {  	_ =	shalt  }
0x4e: {  	_ =	shalt  }
0x4f: {  	_ =	shalt  }
0x50: {  	_ =	shalt  }
0x51: {  	_ =	shalt  }
0x52: {  	_ =	shalt  }
0x53: {  	_ =	shalt  }
0x54: {  	_ =	shalt  }
0x55: {  	_ =	shalt  }
0x56: {  	_ =	shalt  }
0x57: {  	_ =	shalt  }
0x58: {  	_ =	shalt  }
0x59: {  	_ =	shalt  }
0x5a: {  	_ =	shalt  }
0x5b: {  	_ =	shalt  }
0x5c: {  	_ =	shalt  }
0x5d: {  	_ =	shalt  }
0x5e: {  	_ =	shalt  }
0x5f: {  	_ =	shalt  }
0x60: {  	_ =	shalt  }
0x61: {  	_ =	shalt  }
0x62: {  	_ =	shalt  }
0x63: {  	_ =	shalt  }
0x64: {  	_ =	shalt  }
0x65: {  	_ =	shalt  }
0x66: {  	_ =	shalt  }
0x67: {  	_ =	shalt  }
0x68: {  	_ =	shalt  }
0x69: {  	_ =	shalt  }
0x6a: {  	_ =	shalt  }
0x6b: {  	_ =	shalt  }
0x6c: {  	_ =	shalt  }
0x6d: {  	_ =	shalt  }
0x6e: {  	_ =	shalt  }
0x6f: {  	_ =	shalt  }
0x70: {  	_ =	shalt  }
0x71: {  	_ =	shalt  }
0x72: {  	_ =	shalt  }
0x73: {  	_ =	shalt  }
0x74: {  	_ =	shalt  }
0x75: {  	_ =	shalt  }
0x76: {  	_ =	shalt  }
0x77: {  	_ =	shalt  }
0x78: {  	_ =	shalt  }
0x79: {  	_ =	shalt  }
0x7a: {  	_ =	shalt  }
0x7b: {  	_ =	shalt  }
0x7c: {  	_ =	shalt  }
0x7d: {  	_ =	shalt  }
0x7e: {  	_ =	shalt  }
0x7f: {  	_ =	shalt  }
0x80: {  	_ =	shalt  }
0x81: {  	_ =	shalt  }
0x82: {  	_ =	shalt  }
0x83: {  	_ =	shalt  }
0x84: {  	_ =	shalt  }
0x85: {  	_ =	shalt  }
0x86: {  	_ =	shalt  }
0x87: {  	_ =	shalt  }
.Lfunc_end0:
.L_simem_size_0:
called_computation_lowered:
.L_overlay_start_0:
0x88: {  	s2 =	sld [smem:$0x3FD9]  }
0x89: {  	s3 =	sld [smem:$0x3FFE];
	_ =	sdelay $0x1  }
0x8a: {  	s1 =	srdreg.scid  }
0x8b: {  	s0 =	sand.u32 $0x1, s1  }
0x8c: {  	s17 =	sshll.u32 s0, $0xA;
	s2 =	sadd.s32 s3, s2  }
0x8d: {  	s2 =	sadd.s32 s2, s17  }
0x8e: {  	[smem:$0x3FBF] =	sst s2  }
0x8f: {  	_ = 	snop  }
0x90: {  	s2 =	sld [smem:$0x3FD0];
	(tm) =	ssettm $0x1  }
0x91: {  	s18 =	sld [smem:$0x3FFB];
	_ =	sdelay $0x3  }
0x92: {  	_ =	strace s18  }
0x93: {  	s3 =	sld [smem:$0x3FFC];
	_ =	sdelay $0x3  }
0x94: {  	_ =	strace s3  }
0x95: {  	s3 =	sld [smem:$0x3FFD];
	_ =	sdelay $0x3  }
0x96: {  	_ =	strace s3  }
0x97: {  	_ =	strace $0x8FFFFFFF  }
0x98: {  	s19 =	sld [smem:$0x3FDB];
	_ =	sdelay $0x1  }
0x99: {  	s4 =	simm.s32 $_scs_section_size  }
0x9a: {  	s5 =	simm.s32 $_size__tile_overlayer_lowered;
	s6 =	simm.s32 $_tile_overlayer_lowered  }
0x9b: {  	s22 =	simm.s32 $0x1BFF;
	s21 =	sshll.u32 s6, $0x1;
	s3 =	sadd.s32 s4, s19  }
0x9c: {  	s7 =	simm.s32 $0x0;
	s20 =	sshll.u32 s5, $0x1;
	s5 =	sadd.s32 s21, s3  }
0x9d: {  	[timem:s7], [sflag:s22] =	dma.local [hbm:s5], s20  }
0x9e: {  	_ =	swait.ge [sflag:s22], s20  }
0x9f: {  	s4 =	ssub.s32 $0x0, s20;
	[sflag:s22] =	ssyncset.done $0x0  }
0xa0: {  	[sflag:s22] =	ssyncadd.s32 s4;
	_ =	sdelay $0x1  }
0xa1: {  	s23 =	simm.s32 $0x1B8B  }
0xa2: {  	_ =	swait.ge [sflag:s23], $0x1  }
0xa3: {  	[sflag:s23] =	ssyncset.done $0x0  }
0xa4: {  	s25 =	simm.s32 $0x1B8E;
	s24 =	sld [smem:$0x3FFE];
	[sflag:s23] =	ssyncadd.s32 $0xFFFFFFFF  }
0xa5: {  	s26 =	simm.s32 $execute0_lowered;
	[smem:$0x3FD2] =	sst s25  }
0xa6: {  	s5 =	sshll.u32 s26, $0x1;
	_ =	strace $0x80000046;
	[dreg:$0x1] =	wrdreg $0xFFFFFFFF  }
0xa7: {  	s28 =	simm.s32 $_size_execute0_lowered;
	s3 =	sadd.s32 s3, s5;
	[dreg:$0x0] =	wrdreg $0x0  }
0xa8: {  	s5 =	sshll.u32 s28, $0x1;
	[dreg:$0x2] =	wrdreg s3  }
0xa9: {  	[dreg:$0x3] =	wrdreg s5  }
0xaa: {  	[dreg:$0x4] =	wrdreg $0xC0  }
0xab: {  	_ =	task [dreg:s7], $0x5FFFF  }
0xac: {  	[dreg:$0x1] =	wrdreg $0xFFFFFFFF  }
0xad: {  	[dreg:$0x0] =	wrdreg $0x60  }
0xae: {  	[dreg:$0x2] =	wrdreg s2  }
0xaf: {  	[dreg:$0x3] =	wrdreg s24  }
0xb0: {  	[dreg:$0x4] =	wrdreg $0x9  }
0xb1: {  	_ =	task.clear_ibuf [dreg:s7], $0x5FFFF;
	_ =	strace $0x90000046  }
0xb2: {  	s29 =	simm.s32 $0x9;
	_ =	strace $0x80000048  }
0xb3: {  	_ =	swait.ge [sflag:s29], $0x1  }
0xb4: {  	[sflag:s29] =	ssyncadd.s32 $0xFFFFFFFF  }
0xb5: {  	_ =	strace $0x90000048  }
0xb6: {  	_ =	sfence  }
0xb7: {  	s30 =	sld [smem:$0x0];
	_ =	sdelay $0x2  }
0xb8: {  	s31 =	sshll.u32 s1, $0xD;
	s1 =	sshrl.u32 s1, $0x2  }
0xb9: {  	s3 =	sand.u32 $0x4000, s31;
	s1 =	sadd.s32 s1, s30  }
0xba: {  	s0 =	sor.u32 s3, s0;
	s1 =	sshll.u32 s1, $0x11  }
0xbb: {  	s0 =	sor.u32 s1, s0  }
0xbc: {  	s0 =	sadd.s32 $0x8F2B, s0  }
0xbd: {  	[sflag:s0] =	ssyncadd.remote.s32 $0x1  }
0xbe: {  	_ =	sfence.sel $0xFFFF  }
0xbf: {  	[dreg:$0x0] =	wrdreg $0xFFFFFFFF;
	(pc) =	sbr.abs _section_cstart, $3  }
0xc0: {  	[dreg:$0x1] =	wrdreg $0xFFFFFFFF  }
0xc1: {  	_ =	task.clear_ibuf [dreg:s7], $0x2FFFF;
	_ =	strace $0x9FFFFFFF  }
0xc2: {  	(tm) =	ssettm $0x7FFFFFFF  }
0xc3: {  	_ =	shalt  }
tec
execute0_lowered:
.L_overlay_start_1:
0x0: {  	(tag) =	ssettag $0x1  }
0x1: {  	s1 =	stileid.u32  }
0x2: {  	p0 =	sgt.u32 s1, $0x7  }
.Ltmp0:
0x3: {  	_ = 	snop;
	(pc) =	sbr.rel @p0 .LBB2_5-.Ltmp0, $4  }
0x4: {  	_ = 	snop  }
0x5: {  	s3 =	simm.s32 $0x0  }
0x6: {  	[smem:$0x7FF] =	sst s3  }
0x7: {  	s0 =	rddreg [dreg:$0x1];
	_ =	strace $0x80000047  }
0x8: {  	s1 =	srdreg.scid;
	s2 =	stileid.u32  }
0x9: {  	s4 =	sadd.s32 $0x1C00, s0;
	s1 =	sand.u32 $0x1, s1;
	s2 =	sshll.u32 s2, $0x1  }
0xa: {  	s5 =	sadd.s32 $0x1A00, s0;
	s26 =	simm.s32 $0x1;
	s2 =	sor.u32 s1, s2  }
0xb: {  	s31 =	simm.s32 $0x0;
	s1 =	ssub.s32 $0x2, s1;
	s6 =	sshll.u32 s2, $0x1  }
0xc: {  	s29 =	sshrl.u32 s1, $0x1;
	s28 =	sadd.s32 s6, s0;
	s6 =	sshll.u32 s2, $0x8  }
0xd: {  	vm0 =	vmmov $0x1;
	v0 =	vimm.s32 $0x0;
	v62 =	vimm.s32 $0x0;
	[dreg:$0x3] =	wrdreg s4;
	s30 =	ssub.s32 s1, s29;
	s7 =	sor.u32 $0x10, s6  }
0xe: {  	v63 =	vimm.s32 $0x0;
	vm3 =	vmmov $0xf;
	vm4 =	vmmov $0x1f;
	s8 =	sor.u32 $0x20, s6;
	s9 =	sor.u32 $0x30, s6;
	s10 =	sor.u32 $0x40, s6  }
0xf: {  	vm5 =	vmmov $0x3f;
	vm6 =	vmmov $0x7f;
	vm7 =	vmmov $0xff;
	s11 =	sor.u32 $0x50, s6;
	s12 =	sor.u32 $0x60, s6;
	s13 =	sor.u32 $0x70, s6  }
0x10: {  	vm8 =	vmmov $0x1ff;
	v0 =	vsel vm0, $0xFFFFFFFF, v0;
	vm0 =	vmmov $0x3;
	s14 =	sor.u32 $0x80, s6;
	s15 =	sor.u32 $0x90, s6;
	s16 =	sor.u32 $0xA0, s6  }
0x11: {  	vm9 =	vmmov $0x3ff;
	[tilespmem:$0x1FFD0] =	vst v0;
	v0 =	vsel vm0, $0xFFFFFFFF, v62;
	vm0 =	vmmov $0x7;
	s17 =	sor.u32 $0xB0, s6;
	s18 =	sor.u32 $0xC0, s6;
	s19 =	sor.u32 $0xD0, s6  }
0x12: {  	vm10 =	vmmov $0x7ff;
	vm11 =	vmmov $0xfff;
	[tilespmem:$0x1FFE0] =	vst v0;
	v0 =	vsel vm0, $0xFFFFFFFF, v63;
	s20 =	sor.u32 $0xE0, s6;
	s21 =	sor.u32 $0xF0, s6;
	s22 =	sadd.s32 $0x1E00, s28  }
0x13: {  	vm12 =	vmmov $0x1fff;
	vm13 =	vmmov $0x3fff;
	vm14 =	vmmov $0x7fff;
	[tilespmem:$0x1FFF0] =	vst v0;
	s23 =	sadd.s32 $0x1E20, s28;
	s24 =	sadd.s32 $0x1E40, s28;
	s25 =	smax.u32 s30, $0x1  }
.LBB2_2:
0x14: {  	s0 =	simm.s32 $0x0;
	s1 =	rddreg [dreg:$0x0]  }
0x15: {  	[tilespmem:s0], [sflag:$0x1] =	stream.linear.gather [hbm4b:s1+s0], $0x1000, $0x38;
	[tilespmem:$0x3080] =	vst v63  }
0x16: {  	_ =	swait.ge [sflag:s26], $0x1000  }
0x17: {  	[sflag:s26] =	ssyncset.done $0x0  }
0x18: {  	s2 =	simm.s32 $0x1000;
	s4 =	rddreg [dreg:$0x3];
	[sflag:s26] =	ssyncadd.s32 $0xFFFFF000  }
0x19: {  	[tilespmem:s2], [sflag:$0x1] =	stream.linear.gather [hbm4b:s4+s0], $0x1000, $0x38;
	[tilespmem:$0x3080] =	vst v63  }
0x1a: {  	_ =	swait.ge [sflag:s26], $0x1000  }
0x1b: {  	[sflag:s26] =	ssyncset.done $0x0  }
0x1c: {  	s4 =	simm.s32 $0x2000;
	[sflag:s26] =	ssyncadd.s32 $0xFFFFF000  }
0x1d: {  	[tilespmem:s4], [sflag:$0x1] =	stream.linear.gather [hbm4b:s5+s0], $0x1000, $0x38;
	[tilespmem:$0x3080] =	vst v63  }
0x1e: {  	_ =	swait.ge [sflag:s26], $0x1000  }
0x1f: {  	[sflag:s26] =	ssyncset.done $0x0  }
0x20: {  	v36 =	vld [tilespmem:$0x1FFD0];
	[sflag:s26] =	ssyncadd.s32 $0xFFFFF000  }
0x21: {  	v0 =	vld [tilespmem:s6+$0x0]  }
0x22: {  	v1 =	vld [tilespmem:s6+$0x1000]  }
0x23: {  	v2 =	vld [tilespmem:s6+$0x2000]  }
0x24: {  	v3 =	vld [tilespmem:s7+$0x0]  }
0x25: {  	v4 =	vld [tilespmem:s7+$0x1000]  }
0x26: {  	v5 =	vld [tilespmem:s7+$0x2000]  }
0x27: {  	v6 =	vld [tilespmem:s8+$0x0]  }
0x28: {  	v7 =	vld [tilespmem:s8+$0x1000]  }
0x29: {  	v8 =	vld [tilespmem:s8+$0x2000]  }
0x2a: {  	v9 =	vld [tilespmem:s9+$0x0]  }
0x2b: {  	v10 =	vld [tilespmem:s9+$0x1000]  }
0x2c: {  	v11 =	vld [tilespmem:s9+$0x2000]  }
0x2d: {  	v12 =	vld [tilespmem:s10+$0x0]  }
0x2e: {  	v13 =	vld [tilespmem:s10+$0x1000]  }
0x2f: {  	v14 =	vld [tilespmem:s10+$0x2000]  }
0x30: {  	v15 =	vld [tilespmem:s11+$0x0]  }
0x31: {  	v16 =	vld [tilespmem:s11+$0x1000]  }
0x32: {  	v17 =	vld [tilespmem:s11+$0x2000]  }
0x33: {  	v18 =	vld [tilespmem:s12+$0x0]  }
0x34: {  	v19 =	vld [tilespmem:s12+$0x1000]  }
0x35: {  	v20 =	vld [tilespmem:s12+$0x2000]  }
0x36: {  	v21 =	vld [tilespmem:s13+$0x0]  }
0x37: {  	v22 =	vld [tilespmem:s13+$0x1000]  }
0x38: {  	v23 =	vld [tilespmem:s13+$0x2000]  }
0x39: {  	v24 =	vld [tilespmem:s14+$0x0]  }
0x3a: {  	v25 =	vld [tilespmem:s14+$0x1000]  }
0x3b: {  	v26 =	vld [tilespmem:s14+$0x2000]  }
0x3c: {  	v27 =	vld [tilespmem:s15+$0x0]  }
0x3d: {  	v28 =	vld [tilespmem:s15+$0x1000]  }
0x3e: {  	v29 =	vld [tilespmem:s15+$0x2000]  }
0x3f: {  	v30 =	vld [tilespmem:s16+$0x0]  }
0x40: {  	v31 =	vld [tilespmem:s16+$0x1000]  }
0x41: {  	v32 =	vld [tilespmem:s16+$0x2000];
	vm0 =	vnez.u8 v36  }
0x42: {  	v1 =	vsel vm0, v1, v4;
	v4 =	vld [tilespmem:$0x1FFE0]  }
0x43: {  	v2 =	vsel vm0, v2, v5;
	v5 =	vld [tilespmem:$0x1FFF0]  }
0x44: {  	v33 =	vld [tilespmem:s17+$0x0]  }
0x45: {  	v34 =	vld [tilespmem:s17+$0x1000]  }
0x46: {  	v35 =	vld [tilespmem:s17+$0x2000]  }
0x47: {  	v0 =	vsel vm0, v0, v3;
	v3 =	vld [tilespmem:s18+$0x0];
	vm1 =	vnez.u8 v4  }
0x48: {  	v4 =	vld [tilespmem:s18+$0x1000];
	vm0 =	vnez.u8 v5;
	v0 =	vsel vm1, v0, v6  }
0x49: {  	v5 =	vld [tilespmem:s18+$0x2000];
	v1 =	vsel vm1, v1, v7;
	v0 =	vsel vm0, v0, v9  }
0x4a: {  	v2 =	vsel vm1, v2, v8;
	v6 =	vld [tilespmem:s19+$0x0];
	v1 =	vsel vm0, v1, v10;
	v0 =	vsel vm3, v0, v12  }
0x4b: {  	v7 =	vld [tilespmem:s19+$0x1000];
	v2 =	vsel vm0, v2, v11;
	v1 =	vsel vm3, v1, v13;
	v0 =	vsel vm4, v0, v15  }
0x4c: {  	v8 =	vld [tilespmem:s19+$0x2000];
	v2 =	vsel vm3, v2, v14;
	v1 =	vsel vm4, v1, v16;
	v0 =	vsel vm5, v0, v18  }
0x4d: {  	v9 =	vld [tilespmem:s20+$0x0];
	v2 =	vsel vm4, v2, v17;
	v1 =	vsel vm5, v1, v19;
	v0 =	vsel vm6, v0, v21  }
0x4e: {  	v10 =	vld [tilespmem:s20+$0x1000];
	v2 =	vsel vm5, v2, v20;
	v1 =	vsel vm6, v1, v22;
	v0 =	vsel vm7, v0, v24  }
0x4f: {  	v11 =	vld [tilespmem:s21+$0x0];
	v2 =	vsel vm6, v2, v23;
	v1 =	vsel vm7, v1, v25;
	v0 =	vsel vm8, v0, v27  }
0x50: {  	v12 =	vld [tilespmem:s21+$0x1000];
	v2 =	vsel vm7, v2, v26;
	v1 =	vsel vm8, v1, v28;
	v0 =	vsel vm9, v0, v30  }
0x51: {  	v13 =	vld [tilespmem:s20+$0x2000];
	v2 =	vsel vm8, v2, v29;
	v1 =	vsel vm9, v1, v31;
	v0 =	vsel vm10, v0, v33  }
0x52: {  	v2 =	vsel vm9, v2, v32;
	v1 =	vsel vm10, v1, v34;
	v0 =	vsel vm11, v0, v3  }
0x53: {  	v2 =	vsel vm10, v2, v35;
	v1 =	vsel vm11, v1, v4;
	v3 =	vld [tilespmem:s21+$0x2000];
	v0 =	vsel vm12, v0, v6  }
0x54: {  	v2 =	vsel vm11, v2, v5;
	v1 =	vsel vm12, v1, v7;
	v0 =	vsel vm13, v0, v9  }
0x55: {  	v2 =	vsel vm12, v2, v8;
	v1 =	vsel vm13, v1, v10;
	v0 =	vsel vm14, v0, v11  }
0x56: {  	v2 =	vsel vm13, v2, v13;
	v9 =	vld [tilespmem:s4+$0x0];
	v1 =	vsel vm14, v1, v12;
	v4 =	vshrl.u32 v0, $0x10  }
0x57: {  	v5 =	vshrl.u32 v1, $0x10;
	v6 =	vmul.f32 v0, v0;
	v10 =	vmul.f32 v1, v1  }
0x58: {  	v7 =	vld [tilespmem:s0+$0x0];
	v2 =	vsel vm14, v2, v3;
	v3 =	vand.u32 $0x1, v4;
	v4 =	vand.u32 $0x1, v5  }
0x59: {  	v8 =	vld [tilespmem:s2+$0x0];
	v3 =	vadd.s32 v3, v0;
	v4 =	vadd.s32 v4, v1  }
0x5a: {  	v5 =	vshrl.u32 v2, $0x10;
	v6 =	vadd.f32 v10, v6;
	v3 =	vadd.s32 $0x7FFF, v3  }
0x5b: {  	v4 =	vadd.s32 $0x7FFF, v4;
	v5 =	vand.u32 $0x1, v5;
	v10 =	vshrl.u32 v9, $0x10  }
0x5c: {  	v5 =	vadd.s32 v5, v2;
	v0 =	vand.u32 $0xFFFF0000, v3;
	v1 =	vand.u32 $0xFFFF0000, v4  }
0x5d: {  	v4 =	vshrl.u32 v7, $0x10;
	v2 =	vmul.f32 v2, v2;
	v10 =	vand.u32 $0x1, v10  }
0x5e: {  	v3 =	vadd.s32 $0x7FFF, v5;
	v5 =	vshrl.u32 v8, $0x10;
	v4 =	vand.u32 $0x1, v4  }
0x5f: {  	v10 =	vadd.s32 v10, v9;
	v9 =	vmul.f32 v9, v9;
	v5 =	vand.u32 $0x1, v5  }
0x60: {  	s2 =	simm.s32 $0x1010;
	v4 =	vadd.s32 v4, v7;
	v7 =	vmul.f32 v7, v7;
	v5 =	vadd.s32 v5, v8  }
0x61: {  	s4 =	simm.s32 $0x10;
	v13 =	vld [tilespmem:s2+$0x0];
	v4 =	vadd.s32 $0x7FFF, v4;
	v8 =	vmul.f32 v8, v8;
	v5 =	vadd.s32 $0x7FFF, v5  }
0x62: {  	v10 =	vadd.s32 $0x7FFF, v10;
	v11 =	vand.u32 $0xFFFF0000, v4;
	v4 =	vld [tilespmem:s4+$0x0];
	v5 =	vand.u32 $0xFFFF0000, v5  }
0x63: {  	s4 =	simm.s32 $0x2010;
	v11 =	vmul.f32 v11, v0;
	v7 =	vadd.f32 v8, v7;
	v12 =	vmul.f32 v5, v1  }
0x64: {  	v5 =	vand.u32 $0xFFFF0000, v3;
	v3 =	vadd.f32 v2, v6;
	v6 =	vand.u32 $0xFFFF0000, v10;
	v10 =	vld [tilespmem:s4+$0x0]  }
0x65: {  	v11 =	vadd.f32 v12, v11;
	v12 =	vmul.f32 v6, v5  }
0x66: {  	v17 =	vmul.f32 v13, v13;
	v2 =	vimm.f32 $3.000000010e+38;
	v7 =	vadd.f32 v9, v7  }
0x67: {  	v6 =	vimm.s32 $0x0;
	v11 =	vadd.f32 v12, v11;
	v12 =	vshrl.u32 v4, $0x10  }
0x68: {  	v7 =	vadd.f32 v7, v3;
	v8 =	vand.u32 $0x1, v12;
	v12 =	vshrl.u32 v13, $0x10  }
0x69: {  	v14 =	vshrl.u32 v10, $0x10;
	v16 =	vmul.f32 v10, v10;
	v8 =	vadd.s32 v8, v4  }
0x6a: {  	v12 =	vand.u32 $0x1, v12;
	v11 =	vadd.f32 v11, v11;
	v8 =	vadd.s32 $0x7FFF, v8  }
0x6b: {  	v9 =	vadd.s32 v12, v13;
	v12 =	vand.u32 $0x1, v14;
	v13 =	vimm.f32 $3.000000010e+38  }
0x6c: {  	v14 =	vimm.s32 $0x0;
	v8 =	vand.u32 $0xFFFF0000, v8;
	v9 =	vadd.s32 $0x7FFF, v9  }
0x6d: {  	v12 =	vadd.s32 v12, v10;
	v7 =	vsub.f32 v7, v11;
	v10 =	vimm.s32 $0x0  }
0x6e: {  	v9 =	vand.u32 $0xFFFF0000, v9;
	v8 =	vmul.f32 v8, v0;
	v11 =	vadd.s32 $0x7FFF, v12  }
0x6f: {  	v12 =	vimm.f32 $3.000000010e+38;
	v9 =	vmul.f32 v9, v1;
	v19 =	vand.u32 $0xFFFF0000, v11  }
0x70: {  	s28 =	simm.s32 $0x20;
	s29 =	simm.s32 $0x1020;
	v15 =	vmax.f32 v7, $0.0e+00;
	v7 =	vimm.f32 $3.000000010e+38;
	v11 =	vimm.s32 $0x0  }
0x71: {  	s30 =	simm.s32 $0x2020;
	s1 =	simm.s32 $0x1;
	s2 =	simm.s32 $0x2;
	v18 =	vadd.f32 v9, v8;
	v9 =	vimm.f32 $3.000000010e+38;
	v8 =	vimm.s32 $0x0  }
.LBB2_3:
0x72: {  	p0 =	sne.s32 s2, $0xFF;
	v19 =	vmul.f32 v19, v5;
	v20 =	vmul.f32 v4, v4;
	v4 =	vld [tilespmem:s28+$0x0];
	vm1 =	vlt.f32 v15, v2;
	s4 =	smov.u32 s2;
	s2 =	sadd.s32 $0x1, s2  }
0x73: {  	vm15 =	vlt.f32 v15, v7;
	vm2 =	vlt.f32 v15, v9;
	v21 =	vld [tilespmem:s30+$0x0];
	v6 =	vsel vm1, s0, v6  }
0x74: {  	vm0 =	vlt.f32 v15, v12;
	v22 =	vld [tilespmem:s29+$0x0];
	v18 =	vadd.f32 v19, v18;
	v19 =	vsel vm15, v7, v15  }
0x75: {  	v23 =	vsel vm0, v12, v15;
	v24 =	vnsel vm0, s0, v8;
	v12 =	vsel vm0, v19, v12  }
0x76: {  	v17 =	vadd.f32 v17, v20;
	v9 =	vsel vm2, v23, v9;
	v11 =	vsel vm2, v24, v11  }
0x77: {  	v2 =	vsel vm1, v15, v2;
	v20 =	vnsel vm15, s0, v10;
	v19 =	vshrl.u32 v4, $0x10  }
0x78: {  	v15 =	vsel vm1, v13, v15;
	v13 =	vmovc v2;
	v19 =	vand.u32 $0x1, v19;
	v23 =	vshrl.u32 v21, $0x10  }
0x79: {  	v7 =	vsel vm15, v15, v7;
	v19 =	vadd.s32 v19, v4;
	v24 =	vshrl.u32 v22, $0x10  }
0x7a: {  	v16 =	vadd.f32 v16, v17;
	v15 =	vadd.s32 $0x7FFF, v19;
	v19 =	vand.u32 $0x1, v24  }
0x7b: {  	v15 =	vand.u32 $0xFFFF0000, v15;
	v17 =	vadd.s32 v19, v22;
	v19 =	vnsel vm1, s0, v14;
	v14 =	vmovc v6;
	s0 =	smov.u32 s1;
	s1 =	smov.u32 s4  }
0x7c: {  	v23 =	vand.u32 $0x1, v23;
	v17 =	vadd.s32 $0x7FFF, v17;
	v15 =	vmul.f32 v15, v0  }
.Ltmp1:
0x7d: {  	v18 =	vadd.f32 v18, v18;
	v16 =	vadd.f32 v16, v3;
	v17 =	vand.u32 $0xFFFF0000, v17;
	(pc) =	sbr.rel @p0 .LBB2_3-.Ltmp1, $4  }
0x7e: {  	v10 =	vsel vm15, v19, v10;
	v24 =	vmul.f32 v17, v1;
	v17 =	vmul.f32 v22, v22  }
0x7f: {  	v8 =	vsel vm0, v20, v8;
	v19 =	vadd.s32 v23, v21;
	v22 =	vsub.f32 v16, v18  }
0x80: {  	v16 =	vadd.s32 $0x7FFF, v19;
	v18 =	vadd.f32 v24, v15  }
0x81: {  	s28 =	sadd.s32 $0x10, s28;
	s30 =	sadd.s32 $0x10, s30;
	s29 =	sadd.s32 $0x10, s29;
	v19 =	vand.u32 $0xFFFF0000, v16;
	v16 =	vmul.f32 v21, v21;
	v15 =	vmax.f32 v22, $0.0e+00  }
0x82: {  	v0 =	vmul.f32 v4, v4;
	_ =	sdelay $0x1  }
0x83: {  	v1 =	vmul.f32 v19, v5;
	v0 =	vadd.f32 v17, v0;
	_ =	sdelay $0x1  }
0x84: {  	vm0 =	vlt.f32 v15, v2;
	v1 =	vadd.f32 v1, v18;
	v0 =	vadd.f32 v16, v0  }
0x85: {  	vm1 =	vlt.f32 v15, v7;
	vm2 =	vlt.f32 v15, v9;
	vm15 =	vlt.f32 v15, v12  }
0x86: {  	v51 =	vsel vm0, s0, v6;
	v1 =	vadd.f32 v1, v1;
	v0 =	vadd.f32 v0, v3  }
0x87: {  	v52 =	vsel vm1, v7, v15;
	v53 =	vsel vm15, v12, v15;
	v54 =	vnsel vm15, s0, v8  }
0x88: {  	v56 =	vnsel vm1, s0, v10;
	v2 =	vsel vm0, v15, v2;
	v0 =	vsub.f32 v0, v1  }
0x89: {  	v57 =	vsel vm0, v13, v15;
	v58 =	vnsel vm0, s0, v14;
	v5 =	vsel vm2, v53, v9  }
0x8a: {  	v55 =	vsel vm2, v54, v11;
	v59 =	vsel vm1, v57, v7;
	v0 =	vmax.f32 v0, $0.0e+00  }
0x8b: {  	v60 =	vsel vm1, v58, v10;
	v61 =	vsel vm15, v56, v8;
	vm0 =	vlt.f32 v0, v2  }
0x8c: {  	v3 =	vsel vm15, v52, v12;
	vm1 =	vlt.f32 v0, v59;
	v4 =	vnsel vm0, s1, v51  }
0x8d: {  	vm0 =	vlt.f32 v0, v3;
	v62 =	vnsel vm1, s1, v60;
	v4 =	vsel vm1, v4, v60  }
0x8e: {  	vm1 =	vlt.f32 v0, v5;
	v63 =	vnsel vm0, s1, v61;
	v2 =	vsel vm0, v62, v61;
	[tilespmem:$0x3000] =	vst v4  }
0x8f: {  	v0 =	vsel vm1, v63, v55;
	[tilespmem:$0x3010] =	vst v2  }
0x90: {  	s28 =	simm.s32 $0x3000;
	[tilespmem:$0x3020] =	vst v0  }
0x91: {  	[hbm4b:s22+s3] =	stream.linear.scatter [tilespmem:s28], [sflag:$0x1], $0x10, $0x38;
	[tilespmem:$0x3080] =	vst v63  }
0x92: {  	_ =	swait.ge [sflag:s26], $0x10  }
0x93: {  	[sflag:s26] =	ssyncset.done $0x0  }
0x94: {  	s29 =	simm.s32 $0x3010;
	[sflag:s26] =	ssyncadd.s32 $0xFFFFFFF0  }
0x95: {  	[hbm4b:s23+s3] =	stream.linear.scatter [tilespmem:s29], [sflag:$0x1], $0x10, $0x38;
	[tilespmem:$0x3080] =	vst v63  }
0x96: {  	s31 =	sadd.s32 $0x1, s31;
	_ =	swait.ge [sflag:s26], $0x10  }
0x97: {  	p0 =	sne.s32 s31, s25;
	[sflag:s26] =	ssyncset.done $0x0  }
.Ltmp2:
0x98: {  	s30 =	simm.s32 $0x3020;
	[sflag:s26] =	ssyncadd.s32 $0xFFFFFFF0;
	(pc) =	sbr.rel @p0 .LBB2_2-.Ltmp2, $4  }
0x99: {  	[hbm4b:s24+s3] =	stream.linear.scatter [tilespmem:s30], [sflag:$0x1], $0x10, $0x38;
	[tilespmem:$0x3080] =	vst v63  }
0x9a: {  	_ =	swait.ge [sflag:s26], $0x10  }
0x9b: {  	[sflag:s26] =	ssyncset.done $0x0  }
0x9c: {  	[sflag:s26] =	ssyncadd.s32 $0xFFFFFFF0  }
.LBB2_5:
0x9d: {  	_ =	sfence.sel $0x180000  }
0x9e: {  	[bflag:$0x0] =	sbarrier.arrive $0xFFFF  }
0x9f: {  	_ =	strace $0x90000047  }
0xa0: {  	s0 =	stileid.u32;
	[bflag:$0x2] =	sbarrier.arrive $0xFFFF  }
0xa1: {  	p0 =	sne.s32 s0, $0x0;
	s0 =	rddreg [dreg:$0x2]  }
0xa2: {  	s0 =	sadd.s32 @!p0 $0x100000, s0  }
0xa3: {  	[sflag:s0] =	ssyncadd.tile.s32 @!p0 $0x1;
	_ =	shalt  }
.Lfunc_end2:
_tile_overlayer_lowered:
.L_overlay_start_2:
0xa4: {  	(tag) =	ssettag $0x2  }
0xa5: {  	s0 =	rddreg [dreg:$0x0];
	s2 =	stileid.u32  }
0xa6: {  	s1 =	rddreg [dreg:$0x1];
	p0 =	sne.s32 s2, $0x0  }
0xa7: {  	s3 =	rddreg [dreg:$0x2];
	[bflag:$0x3] =	sbarrier.arrive $0xFFFF;
	s2 =	simm.s32 @!p0 $0x1C01  }
0xa8: {  	[timem:s3], [sflag:s2] =	dma.local @!p0 [hbm:s0], s1  }
0xa9: {  	s0 =	simm.s32 @!p0 $0x1  }
0xaa: {  	_ =	swait.ge @!p0 [sflag:s0], s1  }
0xab: {  	s1 =	ssub.s32 @!p0 $0x0, s1;
	[sflag:s0] =	ssyncset.done @!p0 $0x0  }
0xac: {  	[sflag:s0] =	ssyncadd.s32 @!p0 s1  }
0xad: {  	[bflag:$0x3] =	sbarrier.arrive $0xFFFF  }
0xae: {  	_ =	shalt  }

</sc_bundles>
